<compile_context>
chip_gen: v7x
topology: tpu7x:2x2x1
jax: 0.10.2.dev20260603
libtpu: 0.0.44.dev20260713+nightly
codegen_flags: <defaults>
</compile_context>

<pallas_src>
import functools
import math

import jax
import jax.numpy as jnp
from jax import lax
from jax.experimental import pallas as pl
from jax.experimental.pallas import tpu as pltpu
from jax.experimental.pallas import tpu_sc as plsc

N_NODES = 10000
N_EDGES = 320000
NC = 2
NS = 16
NW = NC * NS
CH = 80
EPW = N_EDGES // NW
NCHUNK = EPW // CH
SCH = 640

BN = 2000
BE = 2560



def _node_body(h_ref, W1_ref, b1_ref, g1_ref, be1_ref, W2_ref, b2_ref, out_ref):
    hh = h_ref[...]
    z = jnp.dot(hh, W1_ref[...], preferred_element_type=jnp.float32) + b1_ref[...]
    mu = jnp.mean(z, axis=1, keepdims=True)
    zc = z - mu
    var = jnp.mean(zc * zc, axis=1, keepdims=True)
    z = zc * lax.rsqrt(var + 1e-5) * g1_ref[...] + be1_ref[...]
    z = jnp.maximum(z, 0.0)
    q = jnp.dot(z, W2_ref[...], preferred_element_type=jnp.float32) + b2_ref[...]
    out_ref[:, :128] = hh
    out_ref[:, 128:] = q


def _node_call(h, W1, b1, g1, be1, W2, b2):
    n = h.shape[0]
    full = lambda i: (0, 0)
    return pl.pallas_call(
        _node_body,
        grid=(n // BN,),
        in_specs=[
            pl.BlockSpec((BN, 128), lambda i: (i, 0)),
            pl.BlockSpec((128, 256), full),
            pl.BlockSpec((1, 256), full),
            pl.BlockSpec((1, 256), full),
            pl.BlockSpec((1, 256), full),
            pl.BlockSpec((256, 128), full),
            pl.BlockSpec((1, 128), full),
        ],
        out_specs=pl.BlockSpec((BN, 256), lambda i: (i, 0)),
        out_shape=jax.ShapeDtypeStruct((n, 256), jnp.float32),
    )(h, W1, b1, g1, be1, W2, b2)



def _gather_call(D, h, dst, src):
    mesh = plsc.VectorSubcoreMesh(core_axis_name="c", subcore_axis_name="s")

    @functools.partial(
        pl.kernel,
        mesh=mesh,
        out_type=[
            jax.ShapeDtypeStruct((N_EDGES, 256), jnp.float32),
            jax.ShapeDtypeStruct((N_EDGES, 128), jnp.float32),
        ],
        scratch_types=[
            pltpu.VMEM((EPW,), jnp.int32),
            pltpu.VMEM((EPW,), jnp.int32),
            pltpu.VMEM((2, CH, 256), jnp.float32),
            pltpu.VMEM((2, CH, 128), jnp.float32),
        ] + [pltpu.SemaphoreType.DMA] * 8,
    )
    def gather_k(D_hbm, h_hbm, dst_hbm, src_hbm, g1_hbm, g2_hbm,
                 dsti, srci, buf1, buf2, *sems):
        wid = lax.axis_index("s") * NC + lax.axis_index("c")
        base0 = wid * EPW
        pltpu.sync_copy(dst_hbm.at[pl.ds(base0, EPW)], dsti)
        pltpu.sync_copy(src_hbm.at[pl.ds(base0, EPW)], srci)
        g1s, g2s, w1s, w2s = sems[0:2], sems[2:4], sems[4:6], sems[6:8]

        def start_g(t, s):
            pltpu.async_copy(D_hbm.at[dsti.at[pl.ds(t * CH, CH)]],
                             buf1.at[s], g1s[s])
            pltpu.async_copy(h_hbm.at[srci.at[pl.ds(t * CH, CH)]],
                             buf2.at[s], g2s[s])

        def wait_g(s):
            pltpu.make_async_copy(D_hbm.at[dsti.at[pl.ds(0, CH)]],
                                  buf1.at[s], g1s[s]).wait()
            pltpu.make_async_copy(h_hbm.at[srci.at[pl.ds(0, CH)]],
                                  buf2.at[s], g2s[s]).wait()

        def start_w(t, s):
            base = base0 + t * CH
            pltpu.async_copy(buf1.at[s], g1_hbm.at[pl.ds(base, CH)], w1s[s])
            pltpu.async_copy(buf2.at[s], g2_hbm.at[pl.ds(base, CH)], w2s[s])

        def wait_w(s):
            pltpu.make_async_copy(buf1.at[s], g1_hbm.at[pl.ds(0, CH)],
                                  w1s[s]).wait()
            pltpu.make_async_copy(buf2.at[s], g2_hbm.at[pl.ds(0, CH)],
                                  w2s[s]).wait()

        start_g(0, 0)

        def body(u, carry):
            t0 = 2 * u

            @pl.when(u >= 1)
            def _():
                wait_w(1)

            @pl.when(t0 + 1 < NCHUNK)
            def _():
                start_g(t0 + 1, 1)

            wait_g(0)
            start_w(t0, 0)

            @pl.when(t0 + 1 < NCHUNK)
            def _():
                wait_w(0)

                @pl.when(t0 + 2 < NCHUNK)
                def _():
                    start_g(t0 + 2, 0)

                wait_g(1)
                start_w(t0 + 1, 1)

            return carry

        lax.fori_loop(0, (NCHUNK + 1) // 2, body, 0)
        wait_w((NCHUNK - 1) % 2)

    return gather_k(D, h, dst, src)



def _edge_body(g1_ref, g2_ref, ef_ref, rx_ref, gsel_ref,
               W1_ref, b1_ref, g1w_ref, be1_ref, W2_ref, b2_ref,
               p_ref):
    bf = jnp.bfloat16
    hd = g1_ref[:, :128].astype(bf)
    qd = g1_ref[:, 128:]
    hs = g2_ref[...].astype(bf)
    ef = ef_ref[...].astype(bf)

    x = jnp.concatenate([ef, hd, hs], axis=1)
    z = jnp.dot(x, W1_ref[...], preferred_element_type=jnp.float32) + b1_ref[...]

    def norm(zz, g1w, be1):
        mu = jnp.mean(zz, axis=1, keepdims=True)
        zc = zz - mu
        var = jnp.mean(zc * zc, axis=1, keepdims=True)
        zz = zc * lax.rsqrt(var + 1e-5) * g1w + be1
        return jnp.maximum(zz, 0.0).astype(bf)

    rk = norm(z[:, :256], g1w_ref[:, :256], be1_ref[:, :256])
    rv = norm(z[:, 256:], g1w_ref[:, 256:], be1_ref[:, 256:])
    r = jnp.concatenate([rk, rv], axis=1)
    kv = jnp.dot(r, W2_ref[...], preferred_element_type=jnp.float32) + b2_ref[...]
    kk = kv[:, :128]
    vv = kv[:, 128:144]

    t = (qd * kk * (1.0 / math.sqrt(8.0))).astype(bf)
    logits = jnp.dot(t, gsel_ref[...], preferred_element_type=jnp.float32)
    ex = jnp.exp(logits)
    ev = ex * vv
    ext = ex.T
    evt = ev.T
    rxt = rx_ref[...].T
    p_ref[...] = jnp.concatenate(
        [ext, evt * rxt[0:1], evt * rxt[1:2], evt * rxt[2:3]], axis=0)


def _edge_call(G1, G2, ef, rx, gsel, W1, b1, g1w, be1, W2, b2):
    e = ef.shape[0]
    full = lambda i: (0, 0)
    return pl.pallas_call(
        _edge_body,
        grid=(e // BE,),
        in_specs=[
            pl.BlockSpec((BE, 256), lambda i: (i, 0)),
            pl.BlockSpec((BE, 128), lambda i: (i, 0)),
            pl.BlockSpec((BE, 16), lambda i: (i, 0)),
            pl.BlockSpec((BE, 3), lambda i: (i, 0)),
            pl.BlockSpec((128, 16), full),
            pl.BlockSpec((272, 512), full),
            pl.BlockSpec((1, 512), full),
            pl.BlockSpec((1, 512), full),
            pl.BlockSpec((1, 512), full),
            pl.BlockSpec((512, 144), full),
            pl.BlockSpec((1, 144), full),
        ],
        out_specs=pl.BlockSpec((64, BE), lambda i: (0, i)),
        out_shape=jax.ShapeDtypeStruct((64, e), jnp.float32),
    )(G1, G2, ef, rx, gsel, W1, b1, g1w, be1, W2, b2)



def _scatter_call(PT, dst):
    mesh = plsc.VectorSubcoreMesh(core_axis_name="c", subcore_axis_name="s")
    eph = N_EDGES // NC // 2
    nchunk = eph // SCH

    @functools.partial(
        pl.kernel,
        mesh=mesh,
        out_type=jax.ShapeDtypeStruct((NC, 2, 64, N_NODES), jnp.float32),
        compiler_params=pltpu.CompilerParams(needs_layout_passes=False),
        scratch_types=[
            pltpu.VMEM((2, SCH), jnp.int32),
            pltpu.VMEM((2, 8, SCH), jnp.float32),
        ] + [pltpu.VMEM((N_NODES,), jnp.float32) for _ in range(8)]
          + [pltpu.SemaphoreType.DMA] * 4,
    )
    def scatter_k(PT_hbm, dst_hbm, out_hbm, dstv, pbuf, *rest):
        accs = rest[:8]
        isem = rest[8:10]
        psem = rest[10:12]
        cid = lax.axis_index("c")
        sid = lax.axis_index("s")
        g = sid % 8
        hh = sid // 8
        ebase = (cid * 2 + hh) * eph

        zero16 = jnp.zeros((16,), jnp.float32)

        def zrow(r, carry):
            for c in range(8):
                accs[c][pl.ds(r * 16, 16)] = zero16
            return carry

        lax.fori_loop(0, N_NODES // 16, zrow, 0)

        def load(t, s):
            base = ebase + t * SCH
            pltpu.async_copy(dst_hbm.at[pl.ds(base, SCH)], dstv.at[s], isem[s])
            pltpu.async_copy(PT_hbm.at[pl.ds(8 * g, 8), pl.ds(base, SCH)],
                             pbuf.at[s], psem[s])

        def waitld(s):
            pltpu.make_async_copy(dst_hbm.at[pl.ds(0, SCH)], dstv.at[s],
                                  isem[s]).wait()
            pltpu.make_async_copy(PT_hbm.at[pl.ds(0, 8), pl.ds(0, SCH)],
                                  pbuf.at[s], psem[s]).wait()

        def compute(s):
            def group(j, carry2):
                rows = dstv[s, pl.ds(j * 16, 16)]
                for c in range(8):
                    vals = pbuf[s, c, pl.ds(j * 16, 16)]
                    plsc.addupdate_scatter(accs[c], [rows], vals)
                return carry2

            lax.fori_loop(0, SCH // 16, group, 0)

        load(0, 0)

        def body(u, carry):
            t0 = 2 * u

            @pl.when(t0 + 1 < nchunk)
            def _():
                load(t0 + 1, 1)

            waitld(0)
            compute(0)

            @pl.when(t0 + 1 < nchunk)
            def _():
                @pl.when(t0 + 2 < nchunk)
                def _():
                    load(t0 + 2, 0)

                waitld(1)
                compute(1)

            return carry

        lax.fori_loop(0, (nchunk + 1) // 2, body, 0)
        for c in range(8):
            pltpu.sync_copy(accs[c], out_hbm.at[cid, hh, 8 * g + c])

    return scatter_k(PT, dst)



def _fin_body(a_ref, b_ref, c_ref, d_ref, o_ref):
    acc = a_ref[...] + b_ref[...] + c_ref[...] + d_ref[...]
    s = acc[:16, :] + 1e-16
    rows = [jnp.sum(acc[16 + 16 * c: 32 + 16 * c, :] / s, axis=0, keepdims=True)
            * (1.0 / 16.0) for c in range(3)]
    o_ref[...] = jnp.concatenate(rows, axis=0)


def _fin_call(parts):
    n = parts[0].shape[1]
    return pl.pallas_call(
        _fin_body,
        grid=(1,),
        in_specs=[pl.BlockSpec((64, n), lambda i: (0, 0)) for _ in range(4)],
        out_specs=pl.BlockSpec((3, n), lambda i: (0, 0)),
        out_shape=jax.ShapeDtypeStruct((3, n), jnp.float32),
    )(*parts)



def kernel(h, rel_x, edge_feat, edge_index,
           k_W1, k_b1, k_g1, k_be1, k_W2, k_b2,
           v_W1, v_b1, v_g1, v_be1, v_W2, v_b2,
           q_W1, q_b1, q_g1, q_be1, q_W2, q_b2):
    src = edge_index[0].astype(jnp.int32)
    dst = edge_index[1].astype(jnp.int32)
    row = lambda x: x.reshape(1, -1)

    D = _node_call(h, q_W1, row(q_b1), row(q_g1), row(q_be1), q_W2, row(q_b2))
    G1, G2 = _gather_call(D, h, dst, src)

    bf = jnp.bfloat16
    gsel = jnp.kron(jnp.eye(16, dtype=bf), jnp.ones((8, 1), dtype=bf))
    W1 = jnp.concatenate([k_W1, v_W1], axis=1).astype(bf)
    b1 = row(jnp.concatenate([k_b1, v_b1]))
    g1w = row(jnp.concatenate([k_g1, v_g1]))
    be1 = row(jnp.concatenate([k_be1, v_be1]))
    W2 = jnp.block([
        [k_W2, jnp.zeros((256, 16), jnp.float32)],
        [jnp.zeros((256, 128), jnp.float32), v_W2],
    ]).astype(bf)
    b2 = row(jnp.concatenate([k_b2, v_b2]))
    P = _edge_call(G1, G2, edge_feat, rel_x, gsel, W1, b1, g1w, be1, W2, b2)

    partials = _scatter_call(P, dst)
    parts = [partials[0, 0], partials[0, 1], partials[1, 0], partials[1, 1]]
    return _fin_call(parts).T

# --- scband reference (transcript-rebuilt; emitter-appended) ---
"""Pipeline reference for scband-pos-update-layer-16020228014618 (READ-ONLY COPY).

The authoritative reference and input builder live on the scoring server;
editing this copy changes nothing except your own understanding.
"""

import jax, jax.numpy as jnp
import numpy as np

INPUT_DIM = 128
HIDDEN_DIM = 256
OUTPUT_DIM = 128
N_HEADS = 16
EDGE_FEAT_DIM = 16
N_NODES = 10000
N_EDGES = 320000
KV_IN = INPUT_DIM * 2 + EDGE_FEAT_DIM


def _mlp_params(key, in_dim, hidden_dim, out_dim):
    k1, k2 = jax.random.split(key)
    return {
        'W1': jax.random.normal(k1, (in_dim, hidden_dim), dtype=jnp.float32) * (1.0 / np.sqrt(in_dim)),
        'b1': jnp.zeros((hidden_dim,), dtype=jnp.float32),
        'g1': jnp.ones((hidden_dim,), dtype=jnp.float32),
        'be1': jnp.zeros((hidden_dim,), dtype=jnp.float32),
        'W2': jax.random.normal(k2, (hidden_dim, out_dim), dtype=jnp.float32) * (1.0 / np.sqrt(hidden_dim)),
        'b2': jnp.zeros((out_dim,), dtype=jnp.float32),
    }


def setup_inputs(seed: int = 0) -> dict:
    key = jax.random.key(seed)
    ks = jax.random.split(key, 8)
    h = jax.random.normal(ks[0], (N_NODES, INPUT_DIM), dtype=jnp.float32)
    rel_x = jax.random.normal(ks[1], (N_EDGES, 3), dtype=jnp.float32)
    edge_feat = jax.random.normal(ks[2], (N_EDGES, EDGE_FEAT_DIM), dtype=jnp.float32)
    edge_index = jax.random.randint(ks[3], (2, N_EDGES), 0, N_NODES, dtype=jnp.int64 if jax.config.jax_enable_x64 else jnp.int32)
    pk = _mlp_params(ks[4], KV_IN, HIDDEN_DIM, OUTPUT_DIM)
    pv = _mlp_params(ks[5], KV_IN, HIDDEN_DIM, N_HEADS)
    pq = _mlp_params(ks[6], INPUT_DIM, HIDDEN_DIM, OUTPUT_DIM)
    inp = {'h': h, 'rel_x': rel_x, 'edge_feat': edge_feat, 'edge_index': edge_index}
    for name, p in (('k', pk), ('v', pv), ('q', pq)):
        for pn, pv_ in p.items():
            inp[name + '_' + pn] = pv_
    return inp


def _mlp(x, W1, b1, g1, be1, W2, b2):
    z = x @ W1 + b1
    mu = jnp.mean(z, axis=-1, keepdims=True)
    var = jnp.var(z, axis=-1, keepdims=True)
    z = (z - mu) / jnp.sqrt(var + 1e-5) * g1 + be1
    z = jax.nn.relu(z)
    return z @ W2 + b2


def _scatter_softmax(logits, seg, num_segments):
    m = jax.ops.segment_max(logits, seg, num_segments=num_segments)
    m = jnp.where(jnp.isfinite(m), m, 0.0)
    ex = jnp.exp(logits - m[seg])
    s = jax.ops.segment_sum(ex, seg, num_segments=num_segments)
    return ex / (s[seg] + 1e-16)


def reference(h, rel_x, edge_feat, edge_index,
              k_W1, k_b1, k_g1, k_be1, k_W2, k_b2,
              v_W1, v_b1, v_g1, v_be1, v_W2, v_b2,
              q_W1, q_b1, q_g1, q_be1, q_W2, q_b2):
    N = h.shape[0]
    src = edge_index[0]
    dst = edge_index[1]
    hi = h[dst]
    hj = h[src]
    kv_input = jnp.concatenate([edge_feat, hi, hj], axis=-1)
    k = _mlp(kv_input, k_W1, k_b1, k_g1, k_be1, k_W2, k_b2).reshape(-1, N_HEADS, OUTPUT_DIM // N_HEADS)
    v = _mlp(kv_input, v_W1, v_b1, v_g1, v_be1, v_W2, v_b2)  # [E, n_heads]
    v = v[..., None] * rel_x[:, None, :]  # [E, n_heads, 3]
    q = _mlp(h, q_W1, q_b1, q_g1, q_be1, q_W2, q_b2).reshape(-1, N_HEADS, OUTPUT_DIM // N_HEADS)
    logits = (q[dst] * k / np.sqrt(k.shape[-1])).sum(-1)  # [E, n_heads]
    alpha = _scatter_softmax(logits, dst, N)
    m = alpha[..., None] * v  # [E, n_heads, 3]
    output = jax.ops.segment_sum(m, dst, num_segments=N)  # [N, n_heads, 3]
    return output.mean(axis=1)

if __name__ == "__main__":
    import jax
    _d = setup_inputs()
    print(jax.jit(kernel)(*tuple(_d.values())))

</pallas_src>

<mosaic_0001>
#map = affine_map<(d0, d1) -> (0, 0)>
#map1 = affine_map<(d0, d1) -> (0)>
module attributes {stable_mosaic.version = 14 : i64} {
  func.func @gather_k(%arg0: i32, %arg1: i32, %arg2: memref<10000x256xf32, #tpu.memory_space<hbm>>, %arg3: memref<10000x128xf32, #tpu.memory_space<hbm>>, %arg4: memref<320000xi32, #tpu.memory_space<hbm>>, %arg5: memref<320000xi32, #tpu.memory_space<hbm>>, %arg6: memref<320000x256xf32, #tpu.memory_space<hbm>>, %arg7: memref<320000x128xf32, #tpu.memory_space<hbm>>, %arg8: memref<10000xi32, #tpu.memory_space<vmem>>, %arg9: memref<10000xi32, #tpu.memory_space<vmem>>, %arg10: memref<2x80x256xf32, #tpu.memory_space<vmem>>, %arg11: memref<2x80x128xf32, #tpu.memory_space<vmem>>, %arg12: memref<!tpu.dma_semaphore, #tpu.memory_space<semaphore_mem>>, %arg13: memref<!tpu.dma_semaphore, #tpu.memory_space<semaphore_mem>>, %arg14: memref<!tpu.dma_semaphore, #tpu.memory_space<semaphore_mem>>, %arg15: memref<!tpu.dma_semaphore, #tpu.memory_space<semaphore_mem>>, %arg16: memref<!tpu.dma_semaphore, #tpu.memory_space<semaphore_mem>>, %arg17: memref<!tpu.dma_semaphore, #tpu.memory_space<semaphore_mem>>, %arg18: memref<!tpu.dma_semaphore, #tpu.memory_space<semaphore_mem>>, %arg19: memref<!tpu.dma_semaphore, #tpu.memory_space<semaphore_mem>>) attributes {dimension_semantics = [#tpu.dimension_semantics<core_parallel>, #tpu.dimension_semantics<subcore_parallel>], iteration_bounds = array<i64: 2, 16>, scalar_prefetch = 0 : i64, scratch_operands = 12 : i64, tpu.core_type = #tpu.core_type<sc_vector_subcore>, window_params = [{transform_indices = #map}, {transform_indices = #map}, {transform_indices = #map1}, {transform_indices = #map1}, {transform_indices = #map}, {transform_indices = #map}]} {
    %mul3A = arith.constant 2 : i32
    %mul3A_0 = arith.muli %arg1, %mul3A : i32
    %add3A = arith.addi %mul3A_0, %arg0 : i32
    %mul3A_1 = arith.constant 10000 : i32
    %mul3A_2 = arith.muli %add3A, %mul3A_1 : i32
    "tpu.region"() ({
      %run_scoped3A = tpu.sem_alloc : memref<!tpu.dma_semaphore, #tpu.memory_space<semaphore_mem>>
      %dma_start3A_56 = tpu.memref_slice %arg4[%mul3A_2] : memref<320000xi32, #tpu.memory_space<hbm>> -> memref<10000xi32, #tpu.memory_space<hbm>>
      %dma_start3A_57 = tpu.memref_slice %arg4[%mul3A_2] : memref<320000xi32, #tpu.memory_space<hbm>> -> memref<10000xi32, #tpu.memory_space<hbm>>
      tpu.enqueue_dma source(%dma_start3A_57 : memref<10000xi32, #tpu.memory_space<hbm>>) target(%arg8 : memref<10000xi32, #tpu.memory_space<vmem>>) target_semaphore(%run_scoped3A : memref<!tpu.dma_semaphore, #tpu.memory_space<semaphore_mem>>)
      %dma_wait3A_58 = tpu.memref_slice %arg4[%mul3A_2] : memref<320000xi32, #tpu.memory_space<hbm>> -> memref<10000xi32, #tpu.memory_space<hbm>>
      %dma_wait3A_59 = tpu.memref_slice %arg4[%mul3A_2] : memref<320000xi32, #tpu.memory_space<hbm>> -> memref<10000xi32, #tpu.memory_space<hbm>>
      tpu.wait_dma2 semaphore(%run_scoped3A : memref<!tpu.dma_semaphore, #tpu.memory_space<semaphore_mem>>) src(%dma_wait3A_59 : memref<10000xi32, #tpu.memory_space<hbm>>) dst(%arg8 : memref<10000xi32, #tpu.memory_space<vmem>>)
      tpu.yield
    }) : () -> ()
    "tpu.region"() ({
      %run_scoped3A = tpu.sem_alloc : memref<!tpu.dma_semaphore, #tpu.memory_space<semaphore_mem>>
      %dma_start3A_56 = tpu.memref_slice %arg5[%mul3A_2] : memref<320000xi32, #tpu.memory_space<hbm>> -> memref<10000xi32, #tpu.memory_space<hbm>>
      %dma_start3A_57 = tpu.memref_slice %arg5[%mul3A_2] : memref<320000xi32, #tpu.memory_space<hbm>> -> memref<10000xi32, #tpu.memory_space<hbm>>
      tpu.enqueue_dma source(%dma_start3A_57 : memref<10000xi32, #tpu.memory_space<hbm>>) target(%arg9 : memref<10000xi32, #tpu.memory_space<vmem>>) target_semaphore(%run_scoped3A : memref<!tpu.dma_semaphore, #tpu.memory_space<semaphore_mem>>)
      %dma_wait3A_58 = tpu.memref_slice %arg5[%mul3A_2] : memref<320000xi32, #tpu.memory_space<hbm>> -> memref<10000xi32, #tpu.memory_space<hbm>>
      %dma_wait3A_59 = tpu.memref_slice %arg5[%mul3A_2] : memref<320000xi32, #tpu.memory_space<hbm>> -> memref<10000xi32, #tpu.memory_space<hbm>>
      tpu.wait_dma2 semaphore(%run_scoped3A : memref<!tpu.dma_semaphore, #tpu.memory_space<semaphore_mem>>) src(%dma_wait3A_59 : memref<10000xi32, #tpu.memory_space<hbm>>) dst(%arg9 : memref<10000xi32, #tpu.memory_space<vmem>>)
      tpu.yield
    }) : () -> ()
    %dma_start3A = arith.constant 0 : i32
    %dma_start3A_3 = arith.constant 0 : i32
    %dma_start3A_4 = arith.constant 0 : i32
    %dma_start3A_5 = tpu.memref_slice %arg10[%dma_start3A, %dma_start3A_3, %dma_start3A_4] : memref<2x80x256xf32, #tpu.memory_space<vmem>> -> memref<1x80x256xf32, #tpu.memory_space<vmem>>
    %dma_start3A_6 = tpu.memref_squeeze %dma_start3A_5 : memref<1x80x256xf32, #tpu.memory_space<vmem>> -> memref<80x256xf32, #tpu.memory_space<vmem>>
    %dma_start3A_7 = arith.constant 0 : i32
    %dma_start3A_8 = tpu.memref_slice %arg8[%dma_start3A_7] : memref<10000xi32, #tpu.memory_space<vmem>> -> memref<80xi32, #tpu.memory_space<vmem>>
    %dma_start3A_9 = arith.constant 0 : i32
    %dma_start3A_10 = arith.constant 0 : i32
    %dma_start3A_11 = tpu.memref_slice %arg2[%dma_start3A_9, %dma_start3A_10] : memref<10000x256xf32, #tpu.memory_space<hbm>> -> memref<10000x256xf32, #tpu.memory_space<hbm>>
    tpu.enqueue_indirect_dma source(%dma_start3A_11 : memref<10000x256xf32, #tpu.memory_space<hbm>>) target(%dma_start3A_6 : memref<80x256xf32, #tpu.memory_space<vmem>>) offsets(%dma_start3A_8 : memref<80xi32, #tpu.memory_space<vmem>>) semaphore(%arg12 : memref<!tpu.dma_semaphore, #tpu.memory_space<semaphore_mem>>)
    %dma_start3A_12 = arith.constant 0 : i32
    %dma_start3A_13 = arith.constant 0 : i32
    %dma_start3A_14 = arith.constant 0 : i32
    %dma_start3A_15 = tpu.memref_slice %arg11[%dma_start3A_12, %dma_start3A_13, %dma_start3A_14] : memref<2x80x128xf32, #tpu.memory_space<vmem>> -> memref<1x80x128xf32, #tpu.memory_space<vmem>>
    %dma_start3A_16 = tpu.memref_squeeze %dma_start3A_15 : memref<1x80x128xf32, #tpu.memory_space<vmem>> -> memref<80x128xf32, #tpu.memory_space<vmem>>
    %dma_start3A_17 = arith.constant 0 : i32
    %dma_start3A_18 = tpu.memref_slice %arg9[%dma_start3A_17] : memref<10000xi32, #tpu.memory_space<vmem>> -> memref<80xi32, #tpu.memory_space<vmem>>
    %dma_start3A_19 = arith.constant 0 : i32
    %dma_start3A_20 = arith.constant 0 : i32
    %dma_start3A_21 = tpu.memref_slice %arg3[%dma_start3A_19, %dma_start3A_20] : memref<10000x128xf32, #tpu.memory_space<hbm>> -> memref<10000x128xf32, #tpu.memory_space<hbm>>
    tpu.enqueue_indirect_dma source(%dma_start3A_21 : memref<10000x128xf32, #tpu.memory_space<hbm>>) target(%dma_start3A_16 : memref<80x128xf32, #tpu.memory_space<vmem>>) offsets(%dma_start3A_18 : memref<80xi32, #tpu.memory_space<vmem>>) semaphore(%arg14 : memref<!tpu.dma_semaphore, #tpu.memory_space<semaphore_mem>>)
    %scan3A = arith.constant 0 : i32
    %scan3A_22 = arith.constant 0 : i32
    %scan3A_23 = arith.constant 63 : i32
    %scan3A_24 = arith.addi %scan3A_22, %scan3A_23 : i32
    %scan3A_25 = arith.constant 1 : i32
    scf.for %scan3A_56 = %scan3A_22 to %scan3A_24 step %scan3A_25  : i32 {
      %mul3A_57 = arith.constant 2 : i32
      %mul3A_58 = arith.muli %mul3A_57, %scan3A_56 : i32
      %ge3A = arith.constant 1 : i32
      %ge3A_59 = arith.cmpi sge, %scan3A_56, %ge3A : i32
      %convert_element_type3A = arith.extui %ge3A_59 : i1 to i32
      %cond3A = arith.constant 0 : i32
      %cond3A_60 = arith.cmpi ne, %convert_element_type3A, %cond3A : i32
      scf.if %cond3A_60 {
        %dma_wait3A_123 = arith.constant 1 : i32
        %dma_wait3A_124 = arith.constant 0 : i32
        %dma_wait3A_125 = arith.constant 0 : i32
        %dma_wait3A_126 = tpu.memref_slice %arg10[%dma_wait3A_123, %dma_wait3A_124, %dma_wait3A_125] : memref<2x80x256xf32, #tpu.memory_space<vmem>> -> memref<1x80x256xf32, #tpu.memory_space<vmem>>
        %dma_wait3A_127 = tpu.memref_squeeze %dma_wait3A_126 : memref<1x80x256xf32, #tpu.memory_space<vmem>> -> memref<80x256xf32, #tpu.memory_space<vmem>>
        %dma_wait3A_128 = arith.constant 0 : i32
        %dma_wait3A_129 = arith.constant 0 : i32
        %dma_wait3A_130 = tpu.memref_slice %arg6[%dma_wait3A_128, %dma_wait3A_129] : memref<320000x256xf32, #tpu.memory_space<hbm>> -> memref<80x256xf32, #tpu.memory_space<hbm>>
        %dma_wait3A_131 = arith.constant 0 : i32
        %dma_wait3A_132 = arith.constant 0 : i32
        %dma_wait3A_133 = tpu.memref_slice %arg6[%dma_wait3A_131, %dma_wait3A_132] : memref<320000x256xf32, #tpu.memory_space<hbm>> -> memref<80x256xf32, #tpu.memory_space<hbm>>
        %dma_wait3A_134 = arith.constant 0 : i32
        %dma_wait3A_135 = arith.constant 0 : i32
        %dma_wait3A_136 = tpu.memref_slice %arg10[%dma_wait3A_123, %dma_wait3A_134, %dma_wait3A_135] : memref<2x80x256xf32, #tpu.memory_space<vmem>> -> memref<1x80x256xf32, #tpu.memory_space<vmem>>
        %dma_wait3A_137 = tpu.memref_squeeze %dma_wait3A_136 : memref<1x80x256xf32, #tpu.memory_space<vmem>> -> memref<80x256xf32, #tpu.memory_space<vmem>>
        tpu.wait_dma2 semaphore(%arg17 : memref<!tpu.dma_semaphore, #tpu.memory_space<semaphore_mem>>) src(%dma_wait3A_137 : memref<80x256xf32, #tpu.memory_space<vmem>>) dst(%dma_wait3A_133 : memref<80x256xf32, #tpu.memory_space<hbm>>)
        %dma_wait3A_138 = arith.constant 1 : i32
        %dma_wait3A_139 = arith.constant 0 : i32
        %dma_wait3A_140 = arith.constant 0 : i32
        %dma_wait3A_141 = tpu.memref_slice %arg11[%dma_wait3A_138, %dma_wait3A_139, %dma_wait3A_140] : memref<2x80x128xf32, #tpu.memory_space<vmem>> -> memref<1x80x128xf32, #tpu.memory_space<vmem>>
        %dma_wait3A_142 = tpu.memref_squeeze %dma_wait3A_141 : memref<1x80x128xf32, #tpu.memory_space<vmem>> -> memref<80x128xf32, #tpu.memory_space<vmem>>
        %dma_wait3A_143 = arith.constant 0 : i32
        %dma_wait3A_144 = arith.constant 0 : i32
        %dma_wait3A_145 = tpu.memref_slice %arg7[%dma_wait3A_143, %dma_wait3A_144] : memref<320000x128xf32, #tpu.memory_space<hbm>> -> memref<80x128xf32, #tpu.memory_space<hbm>>
        %dma_wait3A_146 = arith.constant 0 : i32
        %dma_wait3A_147 = arith.constant 0 : i32
        %dma_wait3A_148 = tpu.memref_slice %arg7[%dma_wait3A_146, %dma_wait3A_147] : memref<320000x128xf32, #tpu.memory_space<hbm>> -> memref<80x128xf32, #tpu.memory_space<hbm>>
        %dma_wait3A_149 = arith.constant 0 : i32
        %dma_wait3A_150 = arith.constant 0 : i32
        %dma_wait3A_151 = tpu.memref_slice %arg11[%dma_wait3A_138, %dma_wait3A_149, %dma_wait3A_150] : memref<2x80x128xf32, #tpu.memory_space<vmem>> -> memref<1x80x128xf32, #tpu.memory_space<vmem>>
        %dma_wait3A_152 = tpu.memref_squeeze %dma_wait3A_151 : memref<1x80x128xf32, #tpu.memory_space<vmem>> -> memref<80x128xf32, #tpu.memory_space<vmem>>
        tpu.wait_dma2 semaphore(%arg19 : memref<!tpu.dma_semaphore, #tpu.memory_space<semaphore_mem>>) src(%dma_wait3A_152 : memref<80x128xf32, #tpu.memory_space<vmem>>) dst(%dma_wait3A_148 : memref<80x128xf32, #tpu.memory_space<hbm>>)
      } else {
      }
      %add3A_61 = arith.constant 1 : i32
      %add3A_62 = arith.addi %mul3A_58, %add3A_61 : i32
      %lt3A = arith.constant 125 : i32
      %lt3A_63 = arith.cmpi slt, %add3A_62, %lt3A : i32
      %convert_element_type3A_64 = arith.extui %lt3A_63 : i1 to i32
      %cond3A_65 = arith.constant 0 : i32
      %cond3A_66 = arith.cmpi ne, %convert_element_type3A_64, %cond3A_65 : i32
      scf.if %cond3A_66 {
        %add3A_123 = arith.constant 1 : i32
        %add3A_124 = arith.addi %mul3A_58, %add3A_123 : i32
        %mul3A_125 = arith.constant 80 : i32
        %mul3A_126 = arith.muli %add3A_124, %mul3A_125 : i32
        %dma_start3A_127 = arith.constant 1 : i32
        %dma_start3A_128 = arith.constant 0 : i32
        %dma_start3A_129 = arith.constant 0 : i32
        %dma_start3A_130 = tpu.memref_slice %arg10[%dma_start3A_127, %dma_start3A_128, %dma_start3A_129] : memref<2x80x256xf32, #tpu.memory_space<vmem>> -> memref<1x80x256xf32, #tpu.memory_space<vmem>>
        %dma_start3A_131 = tpu.memref_squeeze %dma_start3A_130 : memref<1x80x256xf32, #tpu.memory_space<vmem>> -> memref<80x256xf32, #tpu.memory_space<vmem>>
        %dma_start3A_132 = tpu.memref_slice %arg8[%mul3A_126] : memref<10000xi32, #tpu.memory_space<vmem>> -> memref<80xi32, #tpu.memory_space<vmem>>
        %dma_start3A_133 = arith.constant 0 : i32
        %dma_start3A_134 = arith.constant 0 : i32
        %dma_start3A_135 = tpu.memref_slice %arg2[%dma_start3A_133, %dma_start3A_134] : memref<10000x256xf32, #tpu.memory_space<hbm>> -> memref<10000x256xf32, #tpu.memory_space<hbm>>
        tpu.enqueue_indirect_dma source(%dma_start3A_135 : memref<10000x256xf32, #tpu.memory_space<hbm>>) target(%dma_start3A_131 : memref<80x256xf32, #tpu.memory_space<vmem>>) offsets(%dma_start3A_132 : memref<80xi32, #tpu.memory_space<vmem>>) semaphore(%arg13 : memref<!tpu.dma_semaphore, #tpu.memory_space<semaphore_mem>>)
        %mul3A_136 = arith.constant 80 : i32
        %mul3A_137 = arith.muli %add3A_124, %mul3A_136 : i32
        %dma_start3A_138 = arith.constant 1 : i32
        %dma_start3A_139 = arith.constant 0 : i32
        %dma_start3A_140 = arith.constant 0 : i32
        %dma_start3A_141 = tpu.memref_slice %arg11[%dma_start3A_138, %dma_start3A_139, %dma_start3A_140] : memref<2x80x128xf32, #tpu.memory_space<vmem>> -> memref<1x80x128xf32, #tpu.memory_space<vmem>>
        %dma_start3A_142 = tpu.memref_squeeze %dma_start3A_141 : memref<1x80x128xf32, #tpu.memory_space<vmem>> -> memref<80x128xf32, #tpu.memory_space<vmem>>
        %dma_start3A_143 = tpu.memref_slice %arg9[%mul3A_137] : memref<10000xi32, #tpu.memory_space<vmem>> -> memref<80xi32, #tpu.memory_space<vmem>>
        %dma_start3A_144 = arith.constant 0 : i32
        %dma_start3A_145 = arith.constant 0 : i32
        %dma_start3A_146 = tpu.memref_slice %arg3[%dma_start3A_144, %dma_start3A_145] : memref<10000x128xf32, #tpu.memory_space<hbm>> -> memref<10000x128xf32, #tpu.memory_space<hbm>>
        tpu.enqueue_indirect_dma source(%dma_start3A_146 : memref<10000x128xf32, #tpu.memory_space<hbm>>) target(%dma_start3A_142 : memref<80x128xf32, #tpu.memory_space<vmem>>) offsets(%dma_start3A_143 : memref<80xi32, #tpu.memory_space<vmem>>) semaphore(%arg15 : memref<!tpu.dma_semaphore, #tpu.memory_space<semaphore_mem>>)
      } else {
      }
      %dma_wait3A_67 = arith.constant 0 : i32
      %dma_wait3A_68 = arith.constant 0 : i32
      %dma_wait3A_69 = arith.constant 0 : i32
      %dma_wait3A_70 = tpu.memref_slice %arg10[%dma_wait3A_67, %dma_wait3A_68, %dma_wait3A_69] : memref<2x80x256xf32, #tpu.memory_space<vmem>> -> memref<1x80x256xf32, #tpu.memory_space<vmem>>
      %dma_wait3A_71 = tpu.memref_squeeze %dma_wait3A_70 : memref<1x80x256xf32, #tpu.memory_space<vmem>> -> memref<80x256xf32, #tpu.memory_space<vmem>>
      %dma_wait3A_72 = arith.constant 0 : i32
      %dma_wait3A_73 = tpu.memref_slice %arg8[%dma_wait3A_72] : memref<10000xi32, #tpu.memory_space<vmem>> -> memref<80xi32, #tpu.memory_space<vmem>>
      %dma_wait3A_74 = arith.constant 0 : i32
      %dma_wait3A_75 = arith.constant 0 : i32
      %dma_wait3A_76 = tpu.memref_slice %arg2[%dma_wait3A_74, %dma_wait3A_75] : memref<10000x256xf32, #tpu.memory_space<hbm>> -> memref<10000x256xf32, #tpu.memory_space<hbm>>
      tpu.wait_indirect_dma semaphore(%arg12 : memref<!tpu.dma_semaphore, #tpu.memory_space<semaphore_mem>>) src(%dma_wait3A_76 : memref<10000x256xf32, #tpu.memory_space<hbm>>) dst(%dma_wait3A_71 : memref<80x256xf32, #tpu.memory_space<vmem>>)
      %dma_wait3A_77 = arith.constant 0 : i32
      %dma_wait3A_78 = arith.constant 0 : i32
      %dma_wait3A_79 = arith.constant 0 : i32
      %dma_wait3A_80 = tpu.memref_slice %arg11[%dma_wait3A_77, %dma_wait3A_78, %dma_wait3A_79] : memref<2x80x128xf32, #tpu.memory_space<vmem>> -> memref<1x80x128xf32, #tpu.memory_space<vmem>>
      %dma_wait3A_81 = tpu.memref_squeeze %dma_wait3A_80 : memref<1x80x128xf32, #tpu.memory_space<vmem>> -> memref<80x128xf32, #tpu.memory_space<vmem>>
      %dma_wait3A_82 = arith.constant 0 : i32
      %dma_wait3A_83 = tpu.memref_slice %arg9[%dma_wait3A_82] : memref<10000xi32, #tpu.memory_space<vmem>> -> memref<80xi32, #tpu.memory_space<vmem>>
      %dma_wait3A_84 = arith.constant 0 : i32
      %dma_wait3A_85 = arith.constant 0 : i32
      %dma_wait3A_86 = tpu.memref_slice %arg3[%dma_wait3A_84, %dma_wait3A_85] : memref<10000x128xf32, #tpu.memory_space<hbm>> -> memref<10000x128xf32, #tpu.memory_space<hbm>>
      tpu.wait_indirect_dma semaphore(%arg14 : memref<!tpu.dma_semaphore, #tpu.memory_space<semaphore_mem>>) src(%dma_wait3A_86 : memref<10000x128xf32, #tpu.memory_space<hbm>>) dst(%dma_wait3A_81 : memref<80x128xf32, #tpu.memory_space<vmem>>)
      %mul3A_87 = arith.constant 80 : i32
      %mul3A_88 = arith.muli %mul3A_58, %mul3A_87 : i32
      %add3A_89 = arith.addi %mul3A_2, %mul3A_88 : i32
      %dma_start3A_90 = arith.constant 0 : i32
      %dma_start3A_91 = arith.constant 0 : i32
      %dma_start3A_92 = arith.constant 0 : i32
      %dma_start3A_93 = tpu.memref_slice %arg10[%dma_start3A_90, %dma_start3A_91, %dma_start3A_92] : memref<2x80x256xf32, #tpu.memory_space<vmem>> -> memref<1x80x256xf32, #tpu.memory_space<vmem>>
      %dma_start3A_94 = tpu.memref_squeeze %dma_start3A_93 : memref<1x80x256xf32, #tpu.memory_space<vmem>> -> memref<80x256xf32, #tpu.memory_space<vmem>>
      %dma_start3A_95 = arith.constant 0 : i32
      %dma_start3A_96 = tpu.memref_slice %arg6[%add3A_89, %dma_start3A_95] : memref<320000x256xf32, #tpu.memory_space<hbm>> -> memref<80x256xf32, #tpu.memory_space<hbm>>
      %dma_start3A_97 = arith.constant 0 : i32
      %dma_start3A_98 = tpu.memref_slice %arg6[%add3A_89, %dma_start3A_97] : memref<320000x256xf32, #tpu.memory_space<hbm>> -> memref<80x256xf32, #tpu.memory_space<hbm>>
      %dma_start3A_99 = arith.constant 0 : i32
      %dma_start3A_100 = arith.constant 0 : i32
      %dma_start3A_101 = tpu.memref_slice %arg10[%dma_start3A_90, %dma_start3A_99, %dma_start3A_100] : memref<2x80x256xf32, #tpu.memory_space<vmem>> -> memref<1x80x256xf32, #tpu.memory_space<vmem>>
      %dma_start3A_102 = tpu.memref_squeeze %dma_start3A_101 : memref<1x80x256xf32, #tpu.memory_space<vmem>> -> memref<80x256xf32, #tpu.memory_space<vmem>>
      tpu.enqueue_dma source(%dma_start3A_102 : memref<80x256xf32, #tpu.memory_space<vmem>>) target(%dma_start3A_98 : memref<80x256xf32, #tpu.memory_space<hbm>>) target_semaphore(%arg16 : memref<!tpu.dma_semaphore, #tpu.memory_space<semaphore_mem>>)
      %dma_start3A_103 = arith.constant 0 : i32
      %dma_start3A_104 = arith.constant 0 : i32
      %dma_start3A_105 = arith.constant 0 : i32
      %dma_start3A_106 = tpu.memref_slice %arg11[%dma_start3A_103, %dma_start3A_104, %dma_start3A_105] : memref<2x80x128xf32, #tpu.memory_space<vmem>> -> memref<1x80x128xf32, #tpu.memory_space<vmem>>
      %dma_start3A_107 = tpu.memref_squeeze %dma_start3A_106 : memref<1x80x128xf32, #tpu.memory_space<vmem>> -> memref<80x128xf32, #tpu.memory_space<vmem>>
      %dma_start3A_108 = arith.constant 0 : i32
      %dma_start3A_109 = tpu.memref_slice %arg7[%add3A_89, %dma_start3A_108] : memref<320000x128xf32, #tpu.memory_space<hbm>> -> memref<80x128xf32, #tpu.memory_space<hbm>>
      %dma_start3A_110 = arith.constant 0 : i32
      %dma_start3A_111 = tpu.memref_slice %arg7[%add3A_89, %dma_start3A_110] : memref<320000x128xf32, #tpu.memory_space<hbm>> -> memref<80x128xf32, #tpu.memory_space<hbm>>
      %dma_start3A_112 = arith.constant 0 : i32
      %dma_start3A_113 = arith.constant 0 : i32
      %dma_start3A_114 = tpu.memref_slice %arg11[%dma_start3A_103, %dma_start3A_112, %dma_start3A_113] : memref<2x80x128xf32, #tpu.memory_space<vmem>> -> memref<1x80x128xf32, #tpu.memory_space<vmem>>
      %dma_start3A_115 = tpu.memref_squeeze %dma_start3A_114 : memref<1x80x128xf32, #tpu.memory_space<vmem>> -> memref<80x128xf32, #tpu.memory_space<vmem>>
      tpu.enqueue_dma source(%dma_start3A_115 : memref<80x128xf32, #tpu.memory_space<vmem>>) target(%dma_start3A_111 : memref<80x128xf32, #tpu.memory_space<hbm>>) target_semaphore(%arg18 : memref<!tpu.dma_semaphore, #tpu.memory_space<semaphore_mem>>)
      %add3A_116 = arith.constant 1 : i32
      %add3A_117 = arith.addi %mul3A_58, %add3A_116 : i32
      %lt3A_118 = arith.constant 125 : i32
      %lt3A_119 = arith.cmpi slt, %add3A_117, %lt3A_118 : i32
      %convert_element_type3A_120 = arith.extui %lt3A_119 : i1 to i32
      %cond3A_121 = arith.constant 0 : i32
      %cond3A_122 = arith.cmpi ne, %convert_element_type3A_120, %cond3A_121 : i32
      scf.if %cond3A_122 {
        %dma_wait3A_123 = arith.constant 0 : i32
        %dma_wait3A_124 = arith.constant 0 : i32
        %dma_wait3A_125 = arith.constant 0 : i32
        %dma_wait3A_126 = tpu.memref_slice %arg10[%dma_wait3A_123, %dma_wait3A_124, %dma_wait3A_125] : memref<2x80x256xf32, #tpu.memory_space<vmem>> -> memref<1x80x256xf32, #tpu.memory_space<vmem>>
        %dma_wait3A_127 = tpu.memref_squeeze %dma_wait3A_126 : memref<1x80x256xf32, #tpu.memory_space<vmem>> -> memref<80x256xf32, #tpu.memory_space<vmem>>
        %dma_wait3A_128 = arith.constant 0 : i32
        %dma_wait3A_129 = arith.constant 0 : i32
        %dma_wait3A_130 = tpu.memref_slice %arg6[%dma_wait3A_128, %dma_wait3A_129] : memref<320000x256xf32, #tpu.memory_space<hbm>> -> memref<80x256xf32, #tpu.memory_space<hbm>>
        %dma_wait3A_131 = arith.constant 0 : i32
        %dma_wait3A_132 = arith.constant 0 : i32
        %dma_wait3A_133 = tpu.memref_slice %arg6[%dma_wait3A_131, %dma_wait3A_132] : memref<320000x256xf32, #tpu.memory_space<hbm>> -> memref<80x256xf32, #tpu.memory_space<hbm>>
        %dma_wait3A_134 = arith.constant 0 : i32
        %dma_wait3A_135 = arith.constant 0 : i32
        %dma_wait3A_136 = tpu.memref_slice %arg10[%dma_wait3A_123, %dma_wait3A_134, %dma_wait3A_135] : memref<2x80x256xf32, #tpu.memory_space<vmem>> -> memref<1x80x256xf32, #tpu.memory_space<vmem>>
        %dma_wait3A_137 = tpu.memref_squeeze %dma_wait3A_136 : memref<1x80x256xf32, #tpu.memory_space<vmem>> -> memref<80x256xf32, #tpu.memory_space<vmem>>
        tpu.wait_dma2 semaphore(%arg16 : memref<!tpu.dma_semaphore, #tpu.memory_space<semaphore_mem>>) src(%dma_wait3A_137 : memref<80x256xf32, #tpu.memory_space<vmem>>) dst(%dma_wait3A_133 : memref<80x256xf32, #tpu.memory_space<hbm>>)
        %dma_wait3A_138 = arith.constant 0 : i32
        %dma_wait3A_139 = arith.constant 0 : i32
        %dma_wait3A_140 = arith.constant 0 : i32
        %dma_wait3A_141 = tpu.memref_slice %arg11[%dma_wait3A_138, %dma_wait3A_139, %dma_wait3A_140] : memref<2x80x128xf32, #tpu.memory_space<vmem>> -> memref<1x80x128xf32, #tpu.memory_space<vmem>>
        %dma_wait3A_142 = tpu.memref_squeeze %dma_wait3A_141 : memref<1x80x128xf32, #tpu.memory_space<vmem>> -> memref<80x128xf32, #tpu.memory_space<vmem>>
        %dma_wait3A_143 = arith.constant 0 : i32
        %dma_wait3A_144 = arith.constant 0 : i32
        %dma_wait3A_145 = tpu.memref_slice %arg7[%dma_wait3A_143, %dma_wait3A_144] : memref<320000x128xf32, #tpu.memory_space<hbm>> -> memref<80x128xf32, #tpu.memory_space<hbm>>
        %dma_wait3A_146 = arith.constant 0 : i32
        %dma_wait3A_147 = arith.constant 0 : i32
        %dma_wait3A_148 = tpu.memref_slice %arg7[%dma_wait3A_146, %dma_wait3A_147] : memref<320000x128xf32, #tpu.memory_space<hbm>> -> memref<80x128xf32, #tpu.memory_space<hbm>>
        %dma_wait3A_149 = arith.constant 0 : i32
        %dma_wait3A_150 = arith.constant 0 : i32
        %dma_wait3A_151 = tpu.memref_slice %arg11[%dma_wait3A_138, %dma_wait3A_149, %dma_wait3A_150] : memref<2x80x128xf32, #tpu.memory_space<vmem>> -> memref<1x80x128xf32, #tpu.memory_space<vmem>>
        %dma_wait3A_152 = tpu.memref_squeeze %dma_wait3A_151 : memref<1x80x128xf32, #tpu.memory_space<vmem>> -> memref<80x128xf32, #tpu.memory_space<vmem>>
        tpu.wait_dma2 semaphore(%arg18 : memref<!tpu.dma_semaphore, #tpu.memory_space<semaphore_mem>>) src(%dma_wait3A_152 : memref<80x128xf32, #tpu.memory_space<vmem>>) dst(%dma_wait3A_148 : memref<80x128xf32, #tpu.memory_space<hbm>>)
        %add3A_153 = arith.constant 2 : i32
        %add3A_154 = arith.addi %mul3A_58, %add3A_153 : i32
        %lt3A_155 = arith.constant 125 : i32
        %lt3A_156 = arith.cmpi slt, %add3A_154, %lt3A_155 : i32
        %convert_element_type3A_157 = arith.extui %lt3A_156 : i1 to i32
        %cond3A_158 = arith.constant 0 : i32
        %cond3A_159 = arith.cmpi ne, %convert_element_type3A_157, %cond3A_158 : i32
        scf.if %cond3A_159 {
          %add3A_211 = arith.constant 2 : i32
          %add3A_212 = arith.addi %mul3A_58, %add3A_211 : i32
          %mul3A_213 = arith.constant 80 : i32
          %mul3A_214 = arith.muli %add3A_212, %mul3A_213 : i32
          %dma_start3A_215 = arith.constant 0 : i32
          %dma_start3A_216 = arith.constant 0 : i32
          %dma_start3A_217 = arith.constant 0 : i32
          %dma_start3A_218 = tpu.memref_slice %arg10[%dma_start3A_215, %dma_start3A_216, %dma_start3A_217] : memref<2x80x256xf32, #tpu.memory_space<vmem>> -> memref<1x80x256xf32, #tpu.memory_space<vmem>>
          %dma_start3A_219 = tpu.memref_squeeze %dma_start3A_218 : memref<1x80x256xf32, #tpu.memory_space<vmem>> -> memref<80x256xf32, #tpu.memory_space<vmem>>
          %dma_start3A_220 = tpu.memref_slice %arg8[%mul3A_214] : memref<10000xi32, #tpu.memory_space<vmem>> -> memref<80xi32, #tpu.memory_space<vmem>>
          %dma_start3A_221 = arith.constant 0 : i32
          %dma_start3A_222 = arith.constant 0 : i32
          %dma_start3A_223 = tpu.memref_slice %arg2[%dma_start3A_221, %dma_start3A_222] : memref<10000x256xf32, #tpu.memory_space<hbm>> -> memref<10000x256xf32, #tpu.memory_space<hbm>>
          tpu.enqueue_indirect_dma source(%dma_start3A_223 : memref<10000x256xf32, #tpu.memory_space<hbm>>) target(%dma_start3A_219 : memref<80x256xf32, #tpu.memory_space<vmem>>) offsets(%dma_start3A_220 : memref<80xi32, #tpu.memory_space<vmem>>) semaphore(%arg12 : memref<!tpu.dma_semaphore, #tpu.memory_space<semaphore_mem>>)
          %mul3A_224 = arith.constant 80 : i32
          %mul3A_225 = arith.muli %add3A_212, %mul3A_224 : i32
          %dma_start3A_226 = arith.constant 0 : i32
          %dma_start3A_227 = arith.constant 0 : i32
          %dma_start3A_228 = arith.constant 0 : i32
          %dma_start3A_229 = tpu.memref_slice %arg11[%dma_start3A_226, %dma_start3A_227, %dma_start3A_228] : memref<2x80x128xf32, #tpu.memory_space<vmem>> -> memref<1x80x128xf32, #tpu.memory_space<vmem>>
          %dma_start3A_230 = tpu.memref_squeeze %dma_start3A_229 : memref<1x80x128xf32, #tpu.memory_space<vmem>> -> memref<80x128xf32, #tpu.memory_space<vmem>>
          %dma_start3A_231 = tpu.memref_slice %arg9[%mul3A_225] : memref<10000xi32, #tpu.memory_space<vmem>> -> memref<80xi32, #tpu.memory_space<vmem>>
          %dma_start3A_232 = arith.constant 0 : i32
          %dma_start3A_233 = arith.constant 0 : i32
          %dma_start3A_234 = tpu.memref_slice %arg3[%dma_start3A_232, %dma_start3A_233] : memref<10000x128xf32, #tpu.memory_space<hbm>> -> memref<10000x128xf32, #tpu.memory_space<hbm>>
          tpu.enqueue_indirect_dma source(%dma_start3A_234 : memref<10000x128xf32, #tpu.memory_space<hbm>>) target(%dma_start3A_230 : memref<80x128xf32, #tpu.memory_space<vmem>>) offsets(%dma_start3A_231 : memref<80xi32, #tpu.memory_space<vmem>>) semaphore(%arg14 : memref<!tpu.dma_semaphore, #tpu.memory_space<semaphore_mem>>)
        } else {
        }
        %dma_wait3A_160 = arith.constant 1 : i32
        %dma_wait3A_161 = arith.constant 0 : i32
        %dma_wait3A_162 = arith.constant 0 : i32
        %dma_wait3A_163 = tpu.memref_slice %arg10[%dma_wait3A_160, %dma_wait3A_161, %dma_wait3A_162] : memref<2x80x256xf32, #tpu.memory_space<vmem>> -> memref<1x80x256xf32, #tpu.memory_space<vmem>>
        %dma_wait3A_164 = tpu.memref_squeeze %dma_wait3A_163 : memref<1x80x256xf32, #tpu.memory_space<vmem>> -> memref<80x256xf32, #tpu.memory_space<vmem>>
        %dma_wait3A_165 = arith.constant 0 : i32
        %dma_wait3A_166 = tpu.memref_slice %arg8[%dma_wait3A_165] : memref<10000xi32, #tpu.memory_space<vmem>> -> memref<80xi32, #tpu.memory_space<vmem>>
        %dma_wait3A_167 = arith.constant 0 : i32
        %dma_wait3A_168 = arith.constant 0 : i32
        %dma_wait3A_169 = tpu.memref_slice %arg2[%dma_wait3A_167, %dma_wait3A_168] : memref<10000x256xf32, #tpu.memory_space<hbm>> -> memref<10000x256xf32, #tpu.memory_space<hbm>>
        tpu.wait_indirect_dma semaphore(%arg13 : memref<!tpu.dma_semaphore, #tpu.memory_space<semaphore_mem>>) src(%dma_wait3A_169 : memref<10000x256xf32, #tpu.memory_space<hbm>>) dst(%dma_wait3A_164 : memref<80x256xf32, #tpu.memory_space<vmem>>)
        %dma_wait3A_170 = arith.constant 1 : i32
        %dma_wait3A_171 = arith.constant 0 : i32
        %dma_wait3A_172 = arith.constant 0 : i32
        %dma_wait3A_173 = tpu.memref_slice %arg11[%dma_wait3A_170, %dma_wait3A_171, %dma_wait3A_172] : memref<2x80x128xf32, #tpu.memory_space<vmem>> -> memref<1x80x128xf32, #tpu.memory_space<vmem>>
        %dma_wait3A_174 = tpu.memref_squeeze %dma_wait3A_173 : memref<1x80x128xf32, #tpu.memory_space<vmem>> -> memref<80x128xf32, #tpu.memory_space<vmem>>
        %dma_wait3A_175 = arith.constant 0 : i32
        %dma_wait3A_176 = tpu.memref_slice %arg9[%dma_wait3A_175] : memref<10000xi32, #tpu.memory_space<vmem>> -> memref<80xi32, #tpu.memory_space<vmem>>
        %dma_wait3A_177 = arith.constant 0 : i32
        %dma_wait3A_178 = arith.constant 0 : i32
        %dma_wait3A_179 = tpu.memref_slice %arg3[%dma_wait3A_177, %dma_wait3A_178] : memref<10000x128xf32, #tpu.memory_space<hbm>> -> memref<10000x128xf32, #tpu.memory_space<hbm>>
        tpu.wait_indirect_dma semaphore(%arg15 : memref<!tpu.dma_semaphore, #tpu.memory_space<semaphore_mem>>) src(%dma_wait3A_179 : memref<10000x128xf32, #tpu.memory_space<hbm>>) dst(%dma_wait3A_174 : memref<80x128xf32, #tpu.memory_space<vmem>>)
        %add3A_180 = arith.constant 1 : i32
        %add3A_181 = arith.addi %mul3A_58, %add3A_180 : i32
        %mul3A_182 = arith.constant 80 : i32
        %mul3A_183 = arith.muli %add3A_181, %mul3A_182 : i32
        %add3A_184 = arith.addi %mul3A_2, %mul3A_183 : i32
        %dma_start3A_185 = arith.constant 1 : i32
        %dma_start3A_186 = arith.constant 0 : i32
        %dma_start3A_187 = arith.constant 0 : i32
        %dma_start3A_188 = tpu.memref_slice %arg10[%dma_start3A_185, %dma_start3A_186, %dma_start3A_187] : memref<2x80x256xf32, #tpu.memory_space<vmem>> -> memref<1x80x256xf32, #tpu.memory_space<vmem>>
        %dma_start3A_189 = tpu.memref_squeeze %dma_start3A_188 : memref<1x80x256xf32, #tpu.memory_space<vmem>> -> memref<80x256xf32, #tpu.memory_space<vmem>>
        %dma_start3A_190 = arith.constant 0 : i32
        %dma_start3A_191 = tpu.memref_slice %arg6[%add3A_184, %dma_start3A_190] : memref<320000x256xf32, #tpu.memory_space<hbm>> -> memref<80x256xf32, #tpu.memory_space<hbm>>
        %dma_start3A_192 = arith.constant 0 : i32
        %dma_start3A_193 = tpu.memref_slice %arg6[%add3A_184, %dma_start3A_192] : memref<320000x256xf32, #tpu.memory_space<hbm>> -> memref<80x256xf32, #tpu.memory_space<hbm>>
        %dma_start3A_194 = arith.constant 0 : i32
        %dma_start3A_195 = arith.constant 0 : i32
        %dma_start3A_196 = tpu.memref_slice %arg10[%dma_start3A_185, %dma_start3A_194, %dma_start3A_195] : memref<2x80x256xf32, #tpu.memory_space<vmem>> -> memref<1x80x256xf32, #tpu.memory_space<vmem>>
        %dma_start3A_197 = tpu.memref_squeeze %dma_start3A_196 : memref<1x80x256xf32, #tpu.memory_space<vmem>> -> memref<80x256xf32, #tpu.memory_space<vmem>>
        tpu.enqueue_dma source(%dma_start3A_197 : memref<80x256xf32, #tpu.memory_space<vmem>>) target(%dma_start3A_193 : memref<80x256xf32, #tpu.memory_space<hbm>>) target_semaphore(%arg17 : memref<!tpu.dma_semaphore, #tpu.memory_space<semaphore_mem>>)
        %dma_start3A_198 = arith.constant 1 : i32
        %dma_start3A_199 = arith.constant 0 : i32
        %dma_start3A_200 = arith.constant 0 : i32
        %dma_start3A_201 = tpu.memref_slice %arg11[%dma_start3A_198, %dma_start3A_199, %dma_start3A_200] : memref<2x80x128xf32, #tpu.memory_space<vmem>> -> memref<1x80x128xf32, #tpu.memory_space<vmem>>
        %dma_start3A_202 = tpu.memref_squeeze %dma_start3A_201 : memref<1x80x128xf32, #tpu.memory_space<vmem>> -> memref<80x128xf32, #tpu.memory_space<vmem>>
        %dma_start3A_203 = arith.constant 0 : i32
        %dma_start3A_204 = tpu.memref_slice %arg7[%add3A_184, %dma_start3A_203] : memref<320000x128xf32, #tpu.memory_space<hbm>> -> memref<80x128xf32, #tpu.memory_space<hbm>>
        %dma_start3A_205 = arith.constant 0 : i32
        %dma_start3A_206 = tpu.memref_slice %arg7[%add3A_184, %dma_start3A_205] : memref<320000x128xf32, #tpu.memory_space<hbm>> -> memref<80x128xf32, #tpu.memory_space<hbm>>
        %dma_start3A_207 = arith.constant 0 : i32
        %dma_start3A_208 = arith.constant 0 : i32
        %dma_start3A_209 = tpu.memref_slice %arg11[%dma_start3A_198, %dma_start3A_207, %dma_start3A_208] : memref<2x80x128xf32, #tpu.memory_space<vmem>> -> memref<1x80x128xf32, #tpu.memory_space<vmem>>
        %dma_start3A_210 = tpu.memref_squeeze %dma_start3A_209 : memref<1x80x128xf32, #tpu.memory_space<vmem>> -> memref<80x128xf32, #tpu.memory_space<vmem>>
        tpu.enqueue_dma source(%dma_start3A_210 : memref<80x128xf32, #tpu.memory_space<vmem>>) target(%dma_start3A_206 : memref<80x128xf32, #tpu.memory_space<hbm>>) target_semaphore(%arg19 : memref<!tpu.dma_semaphore, #tpu.memory_space<semaphore_mem>>)
      } else {
      }
    }
    %scan3A_26 = arith.constant 63 : i32
    %dma_wait3A = arith.constant 0 : i32
    %dma_wait3A_27 = arith.constant 0 : i32
    %dma_wait3A_28 = arith.constant 0 : i32
    %dma_wait3A_29 = tpu.memref_slice %arg10[%dma_wait3A, %dma_wait3A_27, %dma_wait3A_28] : memref<2x80x256xf32, #tpu.memory_space<vmem>> -> memref<1x80x256xf32, #tpu.memory_space<vmem>>
    %dma_wait3A_30 = tpu.memref_squeeze %dma_wait3A_29 : memref<1x80x256xf32, #tpu.memory_space<vmem>> -> memref<80x256xf32, #tpu.memory_space<vmem>>
    %dma_wait3A_31 = arith.constant 0 : i32
    %dma_wait3A_32 = arith.constant 0 : i32
    %dma_wait3A_33 = tpu.memref_slice %arg6[%dma_wait3A_31, %dma_wait3A_32] : memref<320000x256xf32, #tpu.memory_space<hbm>> -> memref<80x256xf32, #tpu.memory_space<hbm>>
    %dma_wait3A_34 = arith.constant 0 : i32
    %dma_wait3A_35 = arith.constant 0 : i32
    %dma_wait3A_36 = tpu.memref_slice %arg6[%dma_wait3A_34, %dma_wait3A_35] : memref<320000x256xf32, #tpu.memory_space<hbm>> -> memref<80x256xf32, #tpu.memory_space<hbm>>
    %dma_wait3A_37 = arith.constant 0 : i32
    %dma_wait3A_38 = arith.constant 0 : i32
    %dma_wait3A_39 = tpu.memref_slice %arg10[%dma_wait3A, %dma_wait3A_37, %dma_wait3A_38] : memref<2x80x256xf32, #tpu.memory_space<vmem>> -> memref<1x80x256xf32, #tpu.memory_space<vmem>>
    %dma_wait3A_40 = tpu.memref_squeeze %dma_wait3A_39 : memref<1x80x256xf32, #tpu.memory_space<vmem>> -> memref<80x256xf32, #tpu.memory_space<vmem>>
    tpu.wait_dma2 semaphore(%arg16 : memref<!tpu.dma_semaphore, #tpu.memory_space<semaphore_mem>>) src(%dma_wait3A_40 : memref<80x256xf32, #tpu.memory_space<vmem>>) dst(%dma_wait3A_36 : memref<80x256xf32, #tpu.memory_space<hbm>>)
    %dma_wait3A_41 = arith.constant 0 : i32
    %dma_wait3A_42 = arith.constant 0 : i32
    %dma_wait3A_43 = arith.constant 0 : i32
    %dma_wait3A_44 = tpu.memref_slice %arg11[%dma_wait3A_41, %dma_wait3A_42, %dma_wait3A_43] : memref<2x80x128xf32, #tpu.memory_space<vmem>> -> memref<1x80x128xf32, #tpu.memory_space<vmem>>
    %dma_wait3A_45 = tpu.memref_squeeze %dma_wait3A_44 : memref<1x80x128xf32, #tpu.memory_space<vmem>> -> memref<80x128xf32, #tpu.memory_space<vmem>>
    %dma_wait3A_46 = arith.constant 0 : i32
    %dma_wait3A_47 = arith.constant 0 : i32
    %dma_wait3A_48 = tpu.memref_slice %arg7[%dma_wait3A_46, %dma_wait3A_47] : memref<320000x128xf32, #tpu.memory_space<hbm>> -> memref<80x128xf32, #tpu.memory_space<hbm>>
    %dma_wait3A_49 = arith.constant 0 : i32
    %dma_wait3A_50 = arith.constant 0 : i32
    %dma_wait3A_51 = tpu.memref_slice %arg7[%dma_wait3A_49, %dma_wait3A_50] : memref<320000x128xf32, #tpu.memory_space<hbm>> -> memref<80x128xf32, #tpu.memory_space<hbm>>
    %dma_wait3A_52 = arith.constant 0 : i32
    %dma_wait3A_53 = arith.constant 0 : i32
    %dma_wait3A_54 = tpu.memref_slice %arg11[%dma_wait3A_41, %dma_wait3A_52, %dma_wait3A_53] : memref<2x80x128xf32, #tpu.memory_space<vmem>> -> memref<1x80x128xf32, #tpu.memory_space<vmem>>
    %dma_wait3A_55 = tpu.memref_squeeze %dma_wait3A_54 : memref<1x80x128xf32, #tpu.memory_space<vmem>> -> memref<80x128xf32, #tpu.memory_space<vmem>>
    tpu.wait_dma2 semaphore(%arg18 : memref<!tpu.dma_semaphore, #tpu.memory_space<semaphore_mem>>) src(%dma_wait3A_55 : memref<80x128xf32, #tpu.memory_space<vmem>>) dst(%dma_wait3A_51 : memref<80x128xf32, #tpu.memory_space<hbm>>)
    return
  }
}

#map = affine_map<(d0, d1) -> (0, 0)>
#map1 = affine_map<(d0, d1) -> (0)>
#map2 = affine_map<(d0, d1) -> (0, 0, 0, 0)>
module attributes {stable_mosaic.version = 14 : i64} {
  func.func @scatter_k(%arg0: i32, %arg1: i32, %arg2: memref<64x320000xf32, #tpu.memory_space<hbm>>, %arg3: memref<320000xi32, #tpu.memory_space<hbm>>, %arg4: memref<2x2x64x10000xf32, #tpu.memory_space<hbm>>, %arg5: memref<2x640xi32, #tpu.memory_space<vmem>>, %arg6: memref<2x8x640xf32, #tpu.memory_space<vmem>>, %arg7: memref<10000xf32, #tpu.memory_space<vmem>>, %arg8: memref<10000xf32, #tpu.memory_space<vmem>>, %arg9: memref<10000xf32, #tpu.memory_space<vmem>>, %arg10: memref<10000xf32, #tpu.memory_space<vmem>>, %arg11: memref<10000xf32, #tpu.memory_space<vmem>>, %arg12: memref<10000xf32, #tpu.memory_space<vmem>>, %arg13: memref<10000xf32, #tpu.memory_space<vmem>>, %arg14: memref<10000xf32, #tpu.memory_space<vmem>>, %arg15: memref<!tpu.dma_semaphore, #tpu.memory_space<semaphore_mem>>, %arg16: memref<!tpu.dma_semaphore, #tpu.memory_space<semaphore_mem>>, %arg17: memref<!tpu.dma_semaphore, #tpu.memory_space<semaphore_mem>>, %arg18: memref<!tpu.dma_semaphore, #tpu.memory_space<semaphore_mem>>) attributes {dimension_semantics = [#tpu.dimension_semantics<core_parallel>, #tpu.dimension_semantics<subcore_parallel>], iteration_bounds = array<i64: 2, 16>, scalar_prefetch = 0 : i64, scratch_operands = 14 : i64, tpu.core_type = #tpu.core_type<sc_vector_subcore>, window_params = [{transform_indices = #map}, {transform_indices = #map1}, {transform_indices = #map2}]} {
    %jit3A = arith.constant 8 : i32
    %eq3A = arith.constant 0 : i32
    %eq3A_0 = arith.cmpi eq, %jit3A, %eq3A : i32
    %jit3A_1 = arith.constant 1 : i32
    %select_n3A = arith.select %eq3A_0, %jit3A_1, %jit3A : i32
    %rem3A = arith.remsi %arg1, %select_n3A : i32
    %ne3A = arith.constant 0 : i32
    %ne3A_2 = arith.cmpi ne, %rem3A, %ne3A : i32
    %lt3A = arith.constant 0 : i32
    %lt3A_3 = arith.cmpi slt, %rem3A, %lt3A : i32
    %lt3A_4 = arith.constant 0 : i32
    %lt3A_5 = arith.cmpi slt, %select_n3A, %lt3A_4 : i32
    %ne3A_6 = arith.xori %lt3A_3, %lt3A_5 : i1
    %and3A = arith.andi %ne3A_6, %ne3A_2 : i1
    %add3A = arith.addi %rem3A, %select_n3A : i32
    %select_n3A_7 = arith.select %and3A, %add3A, %rem3A : i32
    %jit3A_8 = arith.constant 8 : i32
    %div3A = arith.divsi %arg1, %jit3A_8 : i32
    %sign3A = arith.constant 0 : i32
    %sign3A_9 = arith.cmpi sgt, %arg1, %sign3A : i32
    %sign3A_10 = arith.extui %sign3A_9 : i1 to i32
    %sign3A_11 = arith.constant 0 : i32
    %sign3A_12 = arith.cmpi slt, %arg1, %sign3A_11 : i32
    %sign3A_13 = arith.extui %sign3A_12 : i1 to i32
    %sign3A_14 = arith.subi %sign3A_10, %sign3A_13 : i32
    %sign3A_15 = arith.constant 0 : i32
    %sign3A_16 = arith.cmpi sgt, %jit3A_8, %sign3A_15 : i32
    %sign3A_17 = arith.extui %sign3A_16 : i1 to i32
    %sign3A_18 = arith.constant 0 : i32
    %sign3A_19 = arith.cmpi slt, %jit3A_8, %sign3A_18 : i32
    %sign3A_20 = arith.extui %sign3A_19 : i1 to i32
    %sign3A_21 = arith.subi %sign3A_17, %sign3A_20 : i32
    %ne3A_22 = arith.cmpi ne, %sign3A_14, %sign3A_21 : i32
    %rem3A_23 = arith.remsi %arg1, %jit3A_8 : i32
    %ne3A_24 = arith.constant 0 : i32
    %ne3A_25 = arith.cmpi ne, %rem3A_23, %ne3A_24 : i32
    %and3A_26 = arith.andi %ne3A_22, %ne3A_25 : i1
    %sub3A = arith.constant 1 : i32
    %sub3A_27 = arith.subi %div3A, %sub3A : i32
    %select_n3A_28 = arith.select %and3A_26, %sub3A_27, %div3A : i32
    %mul3A = arith.constant 2 : i32
    %mul3A_29 = arith.muli %arg0, %mul3A : i32
    %add3A_30 = arith.addi %mul3A_29, %select_n3A_28 : i32
    %mul3A_31 = arith.constant 80000 : i32
    %mul3A_32 = arith.muli %add3A_30, %mul3A_31 : i32
    %broadcast_in_dim3A = arith.constant 0.000000e+00 : f32
    %broadcast_in_dim3A_33 = vector.broadcast %broadcast_in_dim3A : f32 to vector<16xf32>
    %scan3A = arith.constant 0 : i32
    %scan3A_34 = arith.constant 0 : i32
    %scan3A_35 = arith.constant 625 : i32
    %scan3A_36 = arith.addi %scan3A_34, %scan3A_35 : i32
    %scan3A_37 = arith.constant 1 : i32
    scf.for %scan3A_100 = %scan3A_34 to %scan3A_36 step %scan3A_37  : i32 {
      %mul3A_101 = arith.constant 16 : i32
      %mul3A_102 = arith.muli %scan3A_100, %mul3A_101 : i32
      %swap3A = arith.index_cast %mul3A_102 : i32 to index
      %swap3A_103 = tpu.vector_load %arg7[%swap3A] {strides = array<i32>} : memref<10000xf32, #tpu.memory_space<vmem>>, vector<16xf32>,
      tpu.vector_store %arg7[%swap3A], %broadcast_in_dim3A_33 {strides = array<i32>} : memref<10000xf32, #tpu.memory_space<vmem>>, vector<16xf32>,
      %mul3A_104 = arith.constant 16 : i32
      %mul3A_105 = arith.muli %scan3A_100, %mul3A_104 : i32
      %swap3A_106 = arith.index_cast %mul3A_105 : i32 to index
      %swap3A_107 = tpu.vector_load %arg8[%swap3A_106] {strides = array<i32>} : memref<10000xf32, #tpu.memory_space<vmem>>, vector<16xf32>,
      tpu.vector_store %arg8[%swap3A_106], %broadcast_in_dim3A_33 {strides = array<i32>} : memref<10000xf32, #tpu.memory_space<vmem>>, vector<16xf32>,
      %mul3A_108 = arith.constant 16 : i32
      %mul3A_109 = arith.muli %scan3A_100, %mul3A_108 : i32
      %swap3A_110 = arith.index_cast %mul3A_109 : i32 to index
      %swap3A_111 = tpu.vector_load %arg9[%swap3A_110] {strides = array<i32>} : memref<10000xf32, #tpu.memory_space<vmem>>, vector<16xf32>,
      tpu.vector_store %arg9[%swap3A_110], %broadcast_in_dim3A_33 {strides = array<i32>} : memref<10000xf32, #tpu.memory_space<vmem>>, vector<16xf32>,
      %mul3A_112 = arith.constant 16 : i32
      %mul3A_113 = arith.muli %scan3A_100, %mul3A_112 : i32
      %swap3A_114 = arith.index_cast %mul3A_113 : i32 to index
      %swap3A_115 = tpu.vector_load %arg10[%swap3A_114] {strides = array<i32>} : memref<10000xf32, #tpu.memory_space<vmem>>, vector<16xf32>,
      tpu.vector_store %arg10[%swap3A_114], %broadcast_in_dim3A_33 {strides = array<i32>} : memref<10000xf32, #tpu.memory_space<vmem>>, vector<16xf32>,
      %mul3A_116 = arith.constant 16 : i32
      %mul3A_117 = arith.muli %scan3A_100, %mul3A_116 : i32
      %swap3A_118 = arith.index_cast %mul3A_117 : i32 to index
      %swap3A_119 = tpu.vector_load %arg11[%swap3A_118] {strides = array<i32>} : memref<10000xf32, #tpu.memory_space<vmem>>, vector<16xf32>,
      tpu.vector_store %arg11[%swap3A_118], %broadcast_in_dim3A_33 {strides = array<i32>} : memref<10000xf32, #tpu.memory_space<vmem>>, vector<16xf32>,
      %mul3A_120 = arith.constant 16 : i32
      %mul3A_121 = arith.muli %scan3A_100, %mul3A_120 : i32
      %swap3A_122 = arith.index_cast %mul3A_121 : i32 to index
      %swap3A_123 = tpu.vector_load %arg12[%swap3A_122] {strides = array<i32>} : memref<10000xf32, #tpu.memory_space<vmem>>, vector<16xf32>,
      tpu.vector_store %arg12[%swap3A_122], %broadcast_in_dim3A_33 {strides = array<i32>} : memref<10000xf32, #tpu.memory_space<vmem>>, vector<16xf32>,
      %mul3A_124 = arith.constant 16 : i32
      %mul3A_125 = arith.muli %scan3A_100, %mul3A_124 : i32
      %swap3A_126 = arith.index_cast %mul3A_125 : i32 to index
      %swap3A_127 = tpu.vector_load %arg13[%swap3A_126] {strides = array<i32>} : memref<10000xf32, #tpu.memory_space<vmem>>, vector<16xf32>,
      tpu.vector_store %arg13[%swap3A_126], %broadcast_in_dim3A_33 {strides = array<i32>} : memref<10000xf32, #tpu.memory_space<vmem>>, vector<16xf32>,
      %mul3A_128 = arith.constant 16 : i32
      %mul3A_129 = arith.muli %scan3A_100, %mul3A_128 : i32
      %swap3A_130 = arith.index_cast %mul3A_129 : i32 to index
      %swap3A_131 = tpu.vector_load %arg14[%swap3A_130] {strides = array<i32>} : memref<10000xf32, #tpu.memory_space<vmem>>, vector<16xf32>,
      tpu.vector_store %arg14[%swap3A_130], %broadcast_in_dim3A_33 {strides = array<i32>} : memref<10000xf32, #tpu.memory_space<vmem>>, vector<16xf32>,
    }
    %scan3A_38 = arith.constant 625 : i32
    %add3A_39 = arith.constant 0 : i32
    %add3A_40 = arith.addi %mul3A_32, %add3A_39 : i32
    %dma_start3A = arith.constant 0 : i32
    %dma_start3A_41 = arith.constant 0 : i32
    %dma_start3A_42 = tpu.memref_slice %arg5[%dma_start3A, %dma_start3A_41] : memref<2x640xi32, #tpu.memory_space<vmem>> -> memref<1x640xi32, #tpu.memory_space<vmem>>
    %dma_start3A_43 = tpu.memref_squeeze %dma_start3A_42 : memref<1x640xi32, #tpu.memory_space<vmem>> -> memref<640xi32, #tpu.memory_space<vmem>>
    %dma_start3A_44 = tpu.memref_slice %arg3[%add3A_40] : memref<320000xi32, #tpu.memory_space<hbm>> -> memref<640xi32, #tpu.memory_space<hbm>>
    %dma_start3A_45 = arith.constant 0 : i32
    %dma_start3A_46 = tpu.memref_slice %arg5[%dma_start3A, %dma_start3A_45] : memref<2x640xi32, #tpu.memory_space<vmem>> -> memref<1x640xi32, #tpu.memory_space<vmem>>
    %dma_start3A_47 = tpu.memref_squeeze %dma_start3A_46 : memref<1x640xi32, #tpu.memory_space<vmem>> -> memref<640xi32, #tpu.memory_space<vmem>>
    %dma_start3A_48 = tpu.memref_slice %arg3[%add3A_40] : memref<320000xi32, #tpu.memory_space<hbm>> -> memref<640xi32, #tpu.memory_space<hbm>>
    tpu.enqueue_dma source(%dma_start3A_48 : memref<640xi32, #tpu.memory_space<hbm>>) target(%dma_start3A_47 : memref<640xi32, #tpu.memory_space<vmem>>) target_semaphore(%arg15 : memref<!tpu.dma_semaphore, #tpu.memory_space<semaphore_mem>>)
    %mul3A_49 = arith.constant 8 : i32
    %mul3A_50 = arith.muli %mul3A_49, %select_n3A_7 : i32
    %dma_start3A_51 = arith.constant 0 : i32
    %dma_start3A_52 = arith.constant 0 : i32
    %dma_start3A_53 = arith.constant 0 : i32
    %dma_start3A_54 = tpu.memref_slice %arg6[%dma_start3A_51, %dma_start3A_52, %dma_start3A_53] : memref<2x8x640xf32, #tpu.memory_space<vmem>> -> memref<1x8x640xf32, #tpu.memory_space<vmem>>
    %dma_start3A_55 = tpu.memref_squeeze %dma_start3A_54 : memref<1x8x640xf32, #tpu.memory_space<vmem>> -> memref<8x640xf32, #tpu.memory_space<vmem>>
    %dma_start3A_56 = tpu.memref_slice %arg2[%mul3A_50, %add3A_40] : memref<64x320000xf32, #tpu.memory_space<hbm>> -> memref<8x640xf32, #tpu.memory_space<hbm>>
    %dma_start3A_57 = arith.constant 0 : i32
    %dma_start3A_58 = arith.constant 0 : i32
    %dma_start3A_59 = tpu.memref_slice %arg6[%dma_start3A_51, %dma_start3A_57, %dma_start3A_58] : memref<2x8x640xf32, #tpu.memory_space<vmem>> -> memref<1x8x640xf32, #tpu.memory_space<vmem>>
    %dma_start3A_60 = tpu.memref_squeeze %dma_start3A_59 : memref<1x8x640xf32, #tpu.memory_space<vmem>> -> memref<8x640xf32, #tpu.memory_space<vmem>>
    %dma_start3A_61 = tpu.memref_slice %arg2[%mul3A_50, %add3A_40] : memref<64x320000xf32, #tpu.memory_space<hbm>> -> memref<8x640xf32, #tpu.memory_space<hbm>>
    tpu.enqueue_dma source(%dma_start3A_61 : memref<8x640xf32, #tpu.memory_space<hbm>>) target(%dma_start3A_60 : memref<8x640xf32, #tpu.memory_space<vmem>>) target_semaphore(%arg17 : memref<!tpu.dma_semaphore, #tpu.memory_space<semaphore_mem>>)
    %scan3A_62 = arith.constant 0 : i32
    %scan3A_63 = arith.constant 0 : i32
    %scan3A_64 = arith.constant 63 : i32
    %scan3A_65 = arith.addi %scan3A_63, %scan3A_64 : i32
    %scan3A_66 = arith.constant 1 : i32
    scf.for %scan3A_100 = %scan3A_63 to %scan3A_65 step %scan3A_66  : i32 {
      %mul3A_101 = arith.constant 2 : i32
      %mul3A_102 = arith.muli %mul3A_101, %scan3A_100 : i32
      %add3A_103 = arith.constant 1 : i32
      %add3A_104 = arith.addi %mul3A_102, %add3A_103 : i32
      %lt3A_105 = arith.constant 125 : i32
      %lt3A_106 = arith.cmpi slt, %add3A_104, %lt3A_105 : i32
      %convert_element_type3A = arith.extui %lt3A_106 : i1 to i32
      %cond3A = arith.constant 0 : i32
      %cond3A_107 = arith.cmpi ne, %convert_element_type3A, %cond3A : i32
      scf.if %cond3A_107 {
        %add3A_146 = arith.constant 1 : i32
        %add3A_147 = arith.addi %mul3A_102, %add3A_146 : i32
        %mul3A_148 = arith.constant 640 : i32
        %mul3A_149 = arith.muli %add3A_147, %mul3A_148 : i32
        %add3A_150 = arith.addi %mul3A_32, %mul3A_149 : i32
        %dma_start3A_151 = arith.constant 1 : i32
        %dma_start3A_152 = arith.constant 0 : i32
        %dma_start3A_153 = tpu.memref_slice %arg5[%dma_start3A_151, %dma_start3A_152] : memref<2x640xi32, #tpu.memory_space<vmem>> -> memref<1x640xi32, #tpu.memory_space<vmem>>
        %dma_start3A_154 = tpu.memref_squeeze %dma_start3A_153 : memref<1x640xi32, #tpu.memory_space<vmem>> -> memref<640xi32, #tpu.memory_space<vmem>>
        %dma_start3A_155 = tpu.memref_slice %arg3[%add3A_150] : memref<320000xi32, #tpu.memory_space<hbm>> -> memref<640xi32, #tpu.memory_space<hbm>>
        %dma_start3A_156 = arith.constant 0 : i32
        %dma_start3A_157 = tpu.memref_slice %arg5[%dma_start3A_151, %dma_start3A_156] : memref<2x640xi32, #tpu.memory_space<vmem>> -> memref<1x640xi32, #tpu.memory_space<vmem>>
        %dma_start3A_158 = tpu.memref_squeeze %dma_start3A_157 : memref<1x640xi32, #tpu.memory_space<vmem>> -> memref<640xi32, #tpu.memory_space<vmem>>
        %dma_start3A_159 = tpu.memref_slice %arg3[%add3A_150] : memref<320000xi32, #tpu.memory_space<hbm>> -> memref<640xi32, #tpu.memory_space<hbm>>
        tpu.enqueue_dma source(%dma_start3A_159 : memref<640xi32, #tpu.memory_space<hbm>>) target(%dma_start3A_158 : memref<640xi32, #tpu.memory_space<vmem>>) target_semaphore(%arg16 : memref<!tpu.dma_semaphore, #tpu.memory_space<semaphore_mem>>)
        %mul3A_160 = arith.constant 8 : i32
        %mul3A_161 = arith.muli %mul3A_160, %select_n3A_7 : i32
        %dma_start3A_162 = arith.constant 1 : i32
        %dma_start3A_163 = arith.constant 0 : i32
        %dma_start3A_164 = arith.constant 0 : i32
        %dma_start3A_165 = tpu.memref_slice %arg6[%dma_start3A_162, %dma_start3A_163, %dma_start3A_164] : memref<2x8x640xf32, #tpu.memory_space<vmem>> -> memref<1x8x640xf32, #tpu.memory_space<vmem>>
        %dma_start3A_166 = tpu.memref_squeeze %dma_start3A_165 : memref<1x8x640xf32, #tpu.memory_space<vmem>> -> memref<8x640xf32, #tpu.memory_space<vmem>>
        %dma_start3A_167 = tpu.memref_slice %arg2[%mul3A_161, %add3A_150] : memref<64x320000xf32, #tpu.memory_space<hbm>> -> memref<8x640xf32, #tpu.memory_space<hbm>>
        %dma_start3A_168 = arith.constant 0 : i32
        %dma_start3A_169 = arith.constant 0 : i32
        %dma_start3A_170 = tpu.memref_slice %arg6[%dma_start3A_162, %dma_start3A_168, %dma_start3A_169] : memref<2x8x640xf32, #tpu.memory_space<vmem>> -> memref<1x8x640xf32, #tpu.memory_space<vmem>>
        %dma_start3A_171 = tpu.memref_squeeze %dma_start3A_170 : memref<1x8x640xf32, #tpu.memory_space<vmem>> -> memref<8x640xf32, #tpu.memory_space<vmem>>
        %dma_start3A_172 = tpu.memref_slice %arg2[%mul3A_161, %add3A_150] : memref<64x320000xf32, #tpu.memory_space<hbm>> -> memref<8x640xf32, #tpu.memory_space<hbm>>
        tpu.enqueue_dma source(%dma_start3A_172 : memref<8x640xf32, #tpu.memory_space<hbm>>) target(%dma_start3A_171 : memref<8x640xf32, #tpu.memory_space<vmem>>) target_semaphore(%arg18 : memref<!tpu.dma_semaphore, #tpu.memory_space<semaphore_mem>>)
      } else {
      }
      %dma_wait3A = arith.constant 0 : i32
      %dma_wait3A_108 = arith.constant 0 : i32
      %dma_wait3A_109 = tpu.memref_slice %arg5[%dma_wait3A, %dma_wait3A_108] : memref<2x640xi32, #tpu.memory_space<vmem>> -> memref<1x640xi32, #tpu.memory_space<vmem>>
      %dma_wait3A_110 = tpu.memref_squeeze %dma_wait3A_109 : memref<1x640xi32, #tpu.memory_space<vmem>> -> memref<640xi32, #tpu.memory_space<vmem>>
      %dma_wait3A_111 = arith.constant 0 : i32
      %dma_wait3A_112 = tpu.memref_slice %arg3[%dma_wait3A_111] : memref<320000xi32, #tpu.memory_space<hbm>> -> memref<640xi32, #tpu.memory_space<hbm>>
      %dma_wait3A_113 = arith.constant 0 : i32
      %dma_wait3A_114 = tpu.memref_slice %arg5[%dma_wait3A, %dma_wait3A_113] : memref<2x640xi32, #tpu.memory_space<vmem>> -> memref<1x640xi32, #tpu.memory_space<vmem>>
      %dma_wait3A_115 = tpu.memref_squeeze %dma_wait3A_114 : memref<1x640xi32, #tpu.memory_space<vmem>> -> memref<640xi32, #tpu.memory_space<vmem>>
      %dma_wait3A_116 = arith.constant 0 : i32
      %dma_wait3A_117 = tpu.memref_slice %arg3[%dma_wait3A_116] : memref<320000xi32, #tpu.memory_space<hbm>> -> memref<640xi32, #tpu.memory_space<hbm>>
      tpu.wait_dma2 semaphore(%arg15 : memref<!tpu.dma_semaphore, #tpu.memory_space<semaphore_mem>>) src(%dma_wait3A_117 : memref<640xi32, #tpu.memory_space<hbm>>) dst(%dma_wait3A_115 : memref<640xi32, #tpu.memory_space<vmem>>)
      %dma_wait3A_118 = arith.constant 0 : i32
      %dma_wait3A_119 = arith.constant 0 : i32
      %dma_wait3A_120 = arith.constant 0 : i32
      %dma_wait3A_121 = tpu.memref_slice %arg6[%dma_wait3A_118, %dma_wait3A_119, %dma_wait3A_120] : memref<2x8x640xf32, #tpu.memory_space<vmem>> -> memref<1x8x640xf32, #tpu.memory_space<vmem>>
      %dma_wait3A_122 = tpu.memref_squeeze %dma_wait3A_121 : memref<1x8x640xf32, #tpu.memory_space<vmem>> -> memref<8x640xf32, #tpu.memory_space<vmem>>
      %dma_wait3A_123 = arith.constant 0 : i32
      %dma_wait3A_124 = arith.constant 0 : i32
      %dma_wait3A_125 = tpu.memref_slice %arg2[%dma_wait3A_123, %dma_wait3A_124] : memref<64x320000xf32, #tpu.memory_space<hbm>> -> memref<8x640xf32, #tpu.memory_space<hbm>>
      %dma_wait3A_126 = arith.constant 0 : i32
      %dma_wait3A_127 = arith.constant 0 : i32
      %dma_wait3A_128 = tpu.memref_slice %arg6[%dma_wait3A_118, %dma_wait3A_126, %dma_wait3A_127] : memref<2x8x640xf32, #tpu.memory_space<vmem>> -> memref<1x8x640xf32, #tpu.memory_space<vmem>>
      %dma_wait3A_129 = tpu.memref_squeeze %dma_wait3A_128 : memref<1x8x640xf32, #tpu.memory_space<vmem>> -> memref<8x640xf32, #tpu.memory_space<vmem>>
      %dma_wait3A_130 = arith.constant 0 : i32
      %dma_wait3A_131 = arith.constant 0 : i32
      %dma_wait3A_132 = tpu.memref_slice %arg2[%dma_wait3A_130, %dma_wait3A_131] : memref<64x320000xf32, #tpu.memory_space<hbm>> -> memref<8x640xf32, #tpu.memory_space<hbm>>
      tpu.wait_dma2 semaphore(%arg17 : memref<!tpu.dma_semaphore, #tpu.memory_space<semaphore_mem>>) src(%dma_wait3A_132 : memref<8x640xf32, #tpu.memory_space<hbm>>) dst(%dma_wait3A_129 : memref<8x640xf32, #tpu.memory_space<vmem>>)
      %scan3A_133 = arith.constant 0 : i32
      %scan3A_134 = arith.constant 0 : i32
      %scan3A_135 = arith.constant 40 : i32
      %scan3A_136 = arith.addi %scan3A_134, %scan3A_135 : i32
      %scan3A_137 = arith.constant 1 : i32
      scf.for %scan3A_146 = %scan3A_134 to %scan3A_136 step %scan3A_137  : i32 {
        %mul3A_147 = arith.constant 16 : i32
        %mul3A_148 = arith.muli %scan3A_146, %mul3A_147 : i32
        %get3A = arith.constant 0 : i32
        %get3A_149 = arith.index_cast %get3A : i32 to index
        %get3A_150 = arith.index_cast %mul3A_148 : i32 to index
        %get3A_151 = tpu.vector_load %arg5[%get3A_149, %get3A_150] {strides = array<i32>} : memref<2x640xi32, #tpu.memory_space<vmem>>, vector<16xi32>,
        %mul3A_152 = arith.constant 16 : i32
        %mul3A_153 = arith.muli %scan3A_146, %mul3A_152 : i32
        %get3A_154 = arith.constant 0 : i32
        %get3A_155 = arith.constant 0 : i32
        %get3A_156 = arith.index_cast %get3A_154 : i32 to index
        %get3A_157 = arith.index_cast %get3A_155 : i32 to index
        %get3A_158 = arith.index_cast %mul3A_153 : i32 to index
        %get3A_159 = tpu.vector_load %arg6[%get3A_156, %get3A_157, %get3A_158] {strides = array<i32>} : memref<2x8x640xf32, #tpu.memory_space<vmem>>, vector<16xf32>,
        tpu.vector_store_idx %arg7[%get3A_151], %get3A_159 {add = true} : memref<10000xf32, #tpu.memory_space<vmem>>[vector<16xi32>], vector<16xf32>,
        %mul3A_160 = arith.constant 16 : i32
        %mul3A_161 = arith.muli %scan3A_146, %mul3A_160 : i32
        %get3A_162 = arith.constant 0 : i32
        %get3A_163 = arith.constant 1 : i32
        %get3A_164 = arith.index_cast %get3A_162 : i32 to index
        %get3A_165 = arith.index_cast %get3A_163 : i32 to index
        %get3A_166 = arith.index_cast %mul3A_161 : i32 to index
        %get3A_167 = tpu.vector_load %arg6[%get3A_164, %get3A_165, %get3A_166] {strides = array<i32>} : memref<2x8x640xf32, #tpu.memory_space<vmem>>, vector<16xf32>,
        tpu.vector_store_idx %arg8[%get3A_151], %get3A_167 {add = true} : memref<10000xf32, #tpu.memory_space<vmem>>[vector<16xi32>], vector<16xf32>,
        %mul3A_168 = arith.constant 16 : i32
        %mul3A_169 = arith.muli %scan3A_146, %mul3A_168 : i32
        %get3A_170 = arith.constant 0 : i32
        %get3A_171 = arith.constant 2 : i32
        %get3A_172 = arith.index_cast %get3A_170 : i32 to index
        %get3A_173 = arith.index_cast %get3A_171 : i32 to index
        %get3A_174 = arith.index_cast %mul3A_169 : i32 to index
        %get3A_175 = tpu.vector_load %arg6[%get3A_172, %get3A_173, %get3A_174] {strides = array<i32>} : memref<2x8x640xf32, #tpu.memory_space<vmem>>, vector<16xf32>,
        tpu.vector_store_idx %arg9[%get3A_151], %get3A_175 {add = true} : memref<10000xf32, #tpu.memory_space<vmem>>[vector<16xi32>], vector<16xf32>,
        %mul3A_176 = arith.constant 16 : i32
        %mul3A_177 = arith.muli %scan3A_146, %mul3A_176 : i32
        %get3A_178 = arith.constant 0 : i32
        %get3A_179 = arith.constant 3 : i32
        %get3A_180 = arith.index_cast %get3A_178 : i32 to index
        %get3A_181 = arith.index_cast %get3A_179 : i32 to index
        %get3A_182 = arith.index_cast %mul3A_177 : i32 to index
        %get3A_183 = tpu.vector_load %arg6[%get3A_180, %get3A_181, %get3A_182] {strides = array<i32>} : memref<2x8x640xf32, #tpu.memory_space<vmem>>, vector<16xf32>,
        tpu.vector_store_idx %arg10[%get3A_151], %get3A_183 {add = true} : memref<10000xf32, #tpu.memory_space<vmem>>[vector<16xi32>], vector<16xf32>,
        %mul3A_184 = arith.constant 16 : i32
        %mul3A_185 = arith.muli %scan3A_146, %mul3A_184 : i32
        %get3A_186 = arith.constant 0 : i32
        %get3A_187 = arith.constant 4 : i32
        %get3A_188 = arith.index_cast %get3A_186 : i32 to index
        %get3A_189 = arith.index_cast %get3A_187 : i32 to index
        %get3A_190 = arith.index_cast %mul3A_185 : i32 to index
        %get3A_191 = tpu.vector_load %arg6[%get3A_188, %get3A_189, %get3A_190] {strides = array<i32>} : memref<2x8x640xf32, #tpu.memory_space<vmem>>, vector<16xf32>,
        tpu.vector_store_idx %arg11[%get3A_151], %get3A_191 {add = true} : memref<10000xf32, #tpu.memory_space<vmem>>[vector<16xi32>], vector<16xf32>,
        %mul3A_192 = arith.constant 16 : i32
        %mul3A_193 = arith.muli %scan3A_146, %mul3A_192 : i32
        %get3A_194 = arith.constant 0 : i32
        %get3A_195 = arith.constant 5 : i32
        %get3A_196 = arith.index_cast %get3A_194 : i32 to index
        %get3A_197 = arith.index_cast %get3A_195 : i32 to index
        %get3A_198 = arith.index_cast %mul3A_193 : i32 to index
        %get3A_199 = tpu.vector_load %arg6[%get3A_196, %get3A_197, %get3A_198] {strides = array<i32>} : memref<2x8x640xf32, #tpu.memory_space<vmem>>, vector<16xf32>,
        tpu.vector_store_idx %arg12[%get3A_151], %get3A_199 {add = true} : memref<10000xf32, #tpu.memory_space<vmem>>[vector<16xi32>], vector<16xf32>,
        %mul3A_200 = arith.constant 16 : i32
        %mul3A_201 = arith.muli %scan3A_146, %mul3A_200 : i32
        %get3A_202 = arith.constant 0 : i32
        %get3A_203 = arith.constant 6 : i32
        %get3A_204 = arith.index_cast %get3A_202 : i32 to index
        %get3A_205 = arith.index_cast %get3A_203 : i32 to index
        %get3A_206 = arith.index_cast %mul3A_201 : i32 to index
        %get3A_207 = tpu.vector_load %arg6[%get3A_204, %get3A_205, %get3A_206] {strides = array<i32>} : memref<2x8x640xf32, #tpu.memory_space<vmem>>, vector<16xf32>,
        tpu.vector_store_idx %arg13[%get3A_151], %get3A_207 {add = true} : memref<10000xf32, #tpu.memory_space<vmem>>[vector<16xi32>], vector<16xf32>,
        %mul3A_208 = arith.constant 16 : i32
        %mul3A_209 = arith.muli %scan3A_146, %mul3A_208 : i32
        %get3A_210 = arith.constant 0 : i32
        %get3A_211 = arith.constant 7 : i32
        %get3A_212 = arith.index_cast %get3A_210 : i32 to index
        %get3A_213 = arith.index_cast %get3A_211 : i32 to index
        %get3A_214 = arith.index_cast %mul3A_209 : i32 to index
        %get3A_215 = tpu.vector_load %arg6[%get3A_212, %get3A_213, %get3A_214] {strides = array<i32>} : memref<2x8x640xf32, #tpu.memory_space<vmem>>, vector<16xf32>,
        tpu.vector_store_idx %arg14[%get3A_151], %get3A_215 {add = true} : memref<10000xf32, #tpu.memory_space<vmem>>[vector<16xi32>], vector<16xf32>,
      }
      %scan3A_138 = arith.constant 40 : i32
      %add3A_139 = arith.constant 1 : i32
      %add3A_140 = arith.addi %mul3A_102, %add3A_139 : i32
      %lt3A_141 = arith.constant 125 : i32
      %lt3A_142 = arith.cmpi slt, %add3A_140, %lt3A_141 : i32
      %convert_element_type3A_143 = arith.extui %lt3A_142 : i1 to i32
      %cond3A_144 = arith.constant 0 : i32
      %cond3A_145 = arith.cmpi ne, %convert_element_type3A_143, %cond3A_144 : i32
      scf.if %cond3A_145 {
        %add3A_146 = arith.constant 2 : i32
        %add3A_147 = arith.addi %mul3A_102, %add3A_146 : i32
        %lt3A_148 = arith.constant 125 : i32
        %lt3A_149 = arith.cmpi slt, %add3A_147, %lt3A_148 : i32
        %convert_element_type3A_150 = arith.extui %lt3A_149 : i1 to i32
        %cond3A_151 = arith.constant 0 : i32
        %cond3A_152 = arith.cmpi ne, %convert_element_type3A_150, %cond3A_151 : i32
        scf.if %cond3A_152 {
          %add3A_185 = arith.constant 2 : i32
          %add3A_186 = arith.addi %mul3A_102, %add3A_185 : i32
          %mul3A_187 = arith.constant 640 : i32
          %mul3A_188 = arith.muli %add3A_186, %mul3A_187 : i32
          %add3A_189 = arith.addi %mul3A_32, %mul3A_188 : i32
          %dma_start3A_190 = arith.constant 0 : i32
          %dma_start3A_191 = arith.constant 0 : i32
          %dma_start3A_192 = tpu.memref_slice %arg5[%dma_start3A_190, %dma_start3A_191] : memref<2x640xi32, #tpu.memory_space<vmem>> -> memref<1x640xi32, #tpu.memory_space<vmem>>
          %dma_start3A_193 = tpu.memref_squeeze %dma_start3A_192 : memref<1x640xi32, #tpu.memory_space<vmem>> -> memref<640xi32, #tpu.memory_space<vmem>>
          %dma_start3A_194 = tpu.memref_slice %arg3[%add3A_189] : memref<320000xi32, #tpu.memory_space<hbm>> -> memref<640xi32, #tpu.memory_space<hbm>>
          %dma_start3A_195 = arith.constant 0 : i32
          %dma_start3A_196 = tpu.memref_slice %arg5[%dma_start3A_190, %dma_start3A_195] : memref<2x640xi32, #tpu.memory_space<vmem>> -> memref<1x640xi32, #tpu.memory_space<vmem>>
          %dma_start3A_197 = tpu.memref_squeeze %dma_start3A_196 : memref<1x640xi32, #tpu.memory_space<vmem>> -> memref<640xi32, #tpu.memory_space<vmem>>
          %dma_start3A_198 = tpu.memref_slice %arg3[%add3A_189] : memref<320000xi32, #tpu.memory_space<hbm>> -> memref<640xi32, #tpu.memory_space<hbm>>
          tpu.enqueue_dma source(%dma_start3A_198 : memref<640xi32, #tpu.memory_space<hbm>>) target(%dma_start3A_197 : memref<640xi32, #tpu.memory_space<vmem>>) target_semaphore(%arg15 : memref<!tpu.dma_semaphore, #tpu.memory_space<semaphore_mem>>)
          %mul3A_199 = arith.constant 8 : i32
          %mul3A_200 = arith.muli %mul3A_199, %select_n3A_7 : i32
          %dma_start3A_201 = arith.constant 0 : i32
          %dma_start3A_202 = arith.constant 0 : i32
          %dma_start3A_203 = arith.constant 0 : i32
          %dma_start3A_204 = tpu.memref_slice %arg6[%dma_start3A_201, %dma_start3A_202, %dma_start3A_203] : memref<2x8x640xf32, #tpu.memory_space<vmem>> -> memref<1x8x640xf32, #tpu.memory_space<vmem>>
          %dma_start3A_205 = tpu.memref_squeeze %dma_start3A_204 : memref<1x8x640xf32, #tpu.memory_space<vmem>> -> memref<8x640xf32, #tpu.memory_space<vmem>>
          %dma_start3A_206 = tpu.memref_slice %arg2[%mul3A_200, %add3A_189] : memref<64x320000xf32, #tpu.memory_space<hbm>> -> memref<8x640xf32, #tpu.memory_space<hbm>>
          %dma_start3A_207 = arith.constant 0 : i32
          %dma_start3A_208 = arith.constant 0 : i32
          %dma_start3A_209 = tpu.memref_slice %arg6[%dma_start3A_201, %dma_start3A_207, %dma_start3A_208] : memref<2x8x640xf32, #tpu.memory_space<vmem>> -> memref<1x8x640xf32, #tpu.memory_space<vmem>>
          %dma_start3A_210 = tpu.memref_squeeze %dma_start3A_209 : memref<1x8x640xf32, #tpu.memory_space<vmem>> -> memref<8x640xf32, #tpu.memory_space<vmem>>
          %dma_start3A_211 = tpu.memref_slice %arg2[%mul3A_200, %add3A_189] : memref<64x320000xf32, #tpu.memory_space<hbm>> -> memref<8x640xf32, #tpu.memory_space<hbm>>
          tpu.enqueue_dma source(%dma_start3A_211 : memref<8x640xf32, #tpu.memory_space<hbm>>) target(%dma_start3A_210 : memref<8x640xf32, #tpu.memory_space<vmem>>) target_semaphore(%arg17 : memref<!tpu.dma_semaphore, #tpu.memory_space<semaphore_mem>>)
        } else {
        }
        %dma_wait3A_153 = arith.constant 1 : i32
        %dma_wait3A_154 = arith.constant 0 : i32
        %dma_wait3A_155 = tpu.memref_slice %arg5[%dma_wait3A_153, %dma_wait3A_154] : memref<2x640xi32, #tpu.memory_space<vmem>> -> memref<1x640xi32, #tpu.memory_space<vmem>>
        %dma_wait3A_156 = tpu.memref_squeeze %dma_wait3A_155 : memref<1x640xi32, #tpu.memory_space<vmem>> -> memref<640xi32, #tpu.memory_space<vmem>>
        %dma_wait3A_157 = arith.constant 0 : i32
        %dma_wait3A_158 = tpu.memref_slice %arg3[%dma_wait3A_157] : memref<320000xi32, #tpu.memory_space<hbm>> -> memref<640xi32, #tpu.memory_space<hbm>>
        %dma_wait3A_159 = arith.constant 0 : i32
        %dma_wait3A_160 = tpu.memref_slice %arg5[%dma_wait3A_153, %dma_wait3A_159] : memref<2x640xi32, #tpu.memory_space<vmem>> -> memref<1x640xi32, #tpu.memory_space<vmem>>
        %dma_wait3A_161 = tpu.memref_squeeze %dma_wait3A_160 : memref<1x640xi32, #tpu.memory_space<vmem>> -> memref<640xi32, #tpu.memory_space<vmem>>
        %dma_wait3A_162 = arith.constant 0 : i32
        %dma_wait3A_163 = tpu.memref_slice %arg3[%dma_wait3A_162] : memref<320000xi32, #tpu.memory_space<hbm>> -> memref<640xi32, #tpu.memory_space<hbm>>
        tpu.wait_dma2 semaphore(%arg16 : memref<!tpu.dma_semaphore, #tpu.memory_space<semaphore_mem>>) src(%dma_wait3A_163 : memref<640xi32, #tpu.memory_space<hbm>>) dst(%dma_wait3A_161 : memref<640xi32, #tpu.memory_space<vmem>>)
        %dma_wait3A_164 = arith.constant 1 : i32
        %dma_wait3A_165 = arith.constant 0 : i32
        %dma_wait3A_166 = arith.constant 0 : i32
        %dma_wait3A_167 = tpu.memref_slice %arg6[%dma_wait3A_164, %dma_wait3A_165, %dma_wait3A_166] : memref<2x8x640xf32, #tpu.memory_space<vmem>> -> memref<1x8x640xf32, #tpu.memory_space<vmem>>
        %dma_wait3A_168 = tpu.memref_squeeze %dma_wait3A_167 : memref<1x8x640xf32, #tpu.memory_space<vmem>> -> memref<8x640xf32, #tpu.memory_space<vmem>>
        %dma_wait3A_169 = arith.constant 0 : i32
        %dma_wait3A_170 = arith.constant 0 : i32
        %dma_wait3A_171 = tpu.memref_slice %arg2[%dma_wait3A_169, %dma_wait3A_170] : memref<64x320000xf32, #tpu.memory_space<hbm>> -> memref<8x640xf32, #tpu.memory_space<hbm>>
        %dma_wait3A_172 = arith.constant 0 : i32
        %dma_wait3A_173 = arith.constant 0 : i32
        %dma_wait3A_174 = tpu.memref_slice %arg6[%dma_wait3A_164, %dma_wait3A_172, %dma_wait3A_173] : memref<2x8x640xf32, #tpu.memory_space<vmem>> -> memref<1x8x640xf32, #tpu.memory_space<vmem>>
        %dma_wait3A_175 = tpu.memref_squeeze %dma_wait3A_174 : memref<1x8x640xf32, #tpu.memory_space<vmem>> -> memref<8x640xf32, #tpu.memory_space<vmem>>
        %dma_wait3A_176 = arith.constant 0 : i32
        %dma_wait3A_177 = arith.constant 0 : i32
        %dma_wait3A_178 = tpu.memref_slice %arg2[%dma_wait3A_176, %dma_wait3A_177] : memref<64x320000xf32, #tpu.memory_space<hbm>> -> memref<8x640xf32, #tpu.memory_space<hbm>>
        tpu.wait_dma2 semaphore(%arg18 : memref<!tpu.dma_semaphore, #tpu.memory_space<semaphore_mem>>) src(%dma_wait3A_178 : memref<8x640xf32, #tpu.memory_space<hbm>>) dst(%dma_wait3A_175 : memref<8x640xf32, #tpu.memory_space<vmem>>)
        %scan3A_179 = arith.constant 0 : i32
        %scan3A_180 = arith.constant 0 : i32
        %scan3A_181 = arith.constant 40 : i32
        %scan3A_182 = arith.addi %scan3A_180, %scan3A_181 : i32
        %scan3A_183 = arith.constant 1 : i32
        scf.for %scan3A_185 = %scan3A_180 to %scan3A_182 step %scan3A_183  : i32 {
          %mul3A_186 = arith.constant 16 : i32
          %mul3A_187 = arith.muli %scan3A_185, %mul3A_186 : i32
          %get3A = arith.constant 1 : i32
          %get3A_188 = arith.index_cast %get3A : i32 to index
          %get3A_189 = arith.index_cast %mul3A_187 : i32 to index
          %get3A_190 = tpu.vector_load %arg5[%get3A_188, %get3A_189] {strides = array<i32>} : memref<2x640xi32, #tpu.memory_space<vmem>>, vector<16xi32>,
          %mul3A_191 = arith.constant 16 : i32
          %mul3A_192 = arith.muli %scan3A_185, %mul3A_191 : i32
          %get3A_193 = arith.constant 1 : i32
          %get3A_194 = arith.constant 0 : i32
          %get3A_195 = arith.index_cast %get3A_193 : i32 to index
          %get3A_196 = arith.index_cast %get3A_194 : i32 to index
          %get3A_197 = arith.index_cast %mul3A_192 : i32 to index
          %get3A_198 = tpu.vector_load %arg6[%get3A_195, %get3A_196, %get3A_197] {strides = array<i32>} : memref<2x8x640xf32, #tpu.memory_space<vmem>>, vector<16xf32>,
          tpu.vector_store_idx %arg7[%get3A_190], %get3A_198 {add = true} : memref<10000xf32, #tpu.memory_space<vmem>>[vector<16xi32>], vector<16xf32>,
          %mul3A_199 = arith.constant 16 : i32
          %mul3A_200 = arith.muli %scan3A_185, %mul3A_199 : i32
          %get3A_201 = arith.constant 1 : i32
          %get3A_202 = arith.constant 1 : i32
          %get3A_203 = arith.index_cast %get3A_201 : i32 to index
          %get3A_204 = arith.index_cast %get3A_202 : i32 to index
          %get3A_205 = arith.index_cast %mul3A_200 : i32 to index
          %get3A_206 = tpu.vector_load %arg6[%get3A_203, %get3A_204, %get3A_205] {strides = array<i32>} : memref<2x8x640xf32, #tpu.memory_space<vmem>>, vector<16xf32>,
          tpu.vector_store_idx %arg8[%get3A_190], %get3A_206 {add = true} : memref<10000xf32, #tpu.memory_space<vmem>>[vector<16xi32>], vector<16xf32>,
          %mul3A_207 = arith.constant 16 : i32
          %mul3A_208 = arith.muli %scan3A_185, %mul3A_207 : i32
          %get3A_209 = arith.constant 1 : i32
          %get3A_210 = arith.constant 2 : i32
          %get3A_211 = arith.index_cast %get3A_209 : i32 to index
          %get3A_212 = arith.index_cast %get3A_210 : i32 to index
          %get3A_213 = arith.index_cast %mul3A_208 : i32 to index
          %get3A_214 = tpu.vector_load %arg6[%get3A_211, %get3A_212, %get3A_213] {strides = array<i32>} : memref<2x8x640xf32, #tpu.memory_space<vmem>>, vector<16xf32>,
          tpu.vector_store_idx %arg9[%get3A_190], %get3A_214 {add = true} : memref<10000xf32, #tpu.memory_space<vmem>>[vector<16xi32>], vector<16xf32>,
          %mul3A_215 = arith.constant 16 : i32
          %mul3A_216 = arith.muli %scan3A_185, %mul3A_215 : i32
          %get3A_217 = arith.constant 1 : i32
          %get3A_218 = arith.constant 3 : i32
          %get3A_219 = arith.index_cast %get3A_217 : i32 to index
          %get3A_220 = arith.index_cast %get3A_218 : i32 to index
          %get3A_221 = arith.index_cast %mul3A_216 : i32 to index
          %get3A_222 = tpu.vector_load %arg6[%get3A_219, %get3A_220, %get3A_221] {strides = array<i32>} : memref<2x8x640xf32, #tpu.memory_space<vmem>>, vector<16xf32>,
          tpu.vector_store_idx %arg10[%get3A_190], %get3A_222 {add = true} : memref<10000xf32, #tpu.memory_space<vmem>>[vector<16xi32>], vector<16xf32>,
          %mul3A_223 = arith.constant 16 : i32
          %mul3A_224 = arith.muli %scan3A_185, %mul3A_223 : i32
          %get3A_225 = arith.constant 1 : i32
          %get3A_226 = arith.constant 4 : i32
          %get3A_227 = arith.index_cast %get3A_225 : i32 to index
          %get3A_228 = arith.index_cast %get3A_226 : i32 to index
          %get3A_229 = arith.index_cast %mul3A_224 : i32 to index
          %get3A_230 = tpu.vector_load %arg6[%get3A_227, %get3A_228, %get3A_229] {strides = array<i32>} : memref<2x8x640xf32, #tpu.memory_space<vmem>>, vector<16xf32>,
          tpu.vector_store_idx %arg11[%get3A_190], %get3A_230 {add = true} : memref<10000xf32, #tpu.memory_space<vmem>>[vector<16xi32>], vector<16xf32>,
          %mul3A_231 = arith.constant 16 : i32
          %mul3A_232 = arith.muli %scan3A_185, %mul3A_231 : i32
          %get3A_233 = arith.constant 1 : i32
          %get3A_234 = arith.constant 5 : i32
          %get3A_235 = arith.index_cast %get3A_233 : i32 to index
          %get3A_236 = arith.index_cast %get3A_234 : i32 to index
          %get3A_237 = arith.index_cast %mul3A_232 : i32 to index
          %get3A_238 = tpu.vector_load %arg6[%get3A_235, %get3A_236, %get3A_237] {strides = array<i32>} : memref<2x8x640xf32, #tpu.memory_space<vmem>>, vector<16xf32>,
          tpu.vector_store_idx %arg12[%get3A_190], %get3A_238 {add = true} : memref<10000xf32, #tpu.memory_space<vmem>>[vector<16xi32>], vector<16xf32>,
          %mul3A_239 = arith.constant 16 : i32
          %mul3A_240 = arith.muli %scan3A_185, %mul3A_239 : i32
          %get3A_241 = arith.constant 1 : i32
          %get3A_242 = arith.constant 6 : i32
          %get3A_243 = arith.index_cast %get3A_241 : i32 to index
          %get3A_244 = arith.index_cast %get3A_242 : i32 to index
          %get3A_245 = arith.index_cast %mul3A_240 : i32 to index
          %get3A_246 = tpu.vector_load %arg6[%get3A_243, %get3A_244, %get3A_245] {strides = array<i32>} : memref<2x8x640xf32, #tpu.memory_space<vmem>>, vector<16xf32>,
          tpu.vector_store_idx %arg13[%get3A_190], %get3A_246 {add = true} : memref<10000xf32, #tpu.memory_space<vmem>>[vector<16xi32>], vector<16xf32>,
          %mul3A_247 = arith.constant 16 : i32
          %mul3A_248 = arith.muli %scan3A_185, %mul3A_247 : i32
          %get3A_249 = arith.constant 1 : i32
          %get3A_250 = arith.constant 7 : i32
          %get3A_251 = arith.index_cast %get3A_249 : i32 to index
          %get3A_252 = arith.index_cast %get3A_250 : i32 to index
          %get3A_253 = arith.index_cast %mul3A_248 : i32 to index
          %get3A_254 = tpu.vector_load %arg6[%get3A_251, %get3A_252, %get3A_253] {strides = array<i32>} : memref<2x8x640xf32, #tpu.memory_space<vmem>>, vector<16xf32>,
          tpu.vector_store_idx %arg14[%get3A_190], %get3A_254 {add = true} : memref<10000xf32, #tpu.memory_space<vmem>>[vector<16xi32>], vector<16xf32>,
        }
        %scan3A_184 = arith.constant 40 : i32
      } else {
      }
    }
    %scan3A_67 = arith.constant 63 : i32
    %mul3A_68 = arith.constant 8 : i32
    %mul3A_69 = arith.muli %mul3A_68, %select_n3A_7 : i32
    %add3A_70 = arith.constant 0 : i32
    %add3A_71 = arith.addi %mul3A_69, %add3A_70 : i32
    "tpu.region"() ({
      %run_scoped3A = tpu.sem_alloc : memref<!tpu.dma_semaphore, #tpu.memory_space<semaphore_mem>>
      %dma_start3A_100 = arith.constant 0 : i32
      %dma_start3A_101 = tpu.memref_slice %arg4[%arg0, %select_n3A_28, %add3A_71, %dma_start3A_100] : memref<2x2x64x10000xf32, #tpu.memory_space<hbm>> -> memref<1x1x1x10000xf32, #tpu.memory_space<hbm>>
      %dma_start3A_102 = tpu.memref_squeeze %dma_start3A_101 : memref<1x1x1x10000xf32, #tpu.memory_space<hbm>> -> memref<10000xf32, #tpu.memory_space<hbm>>
      %dma_start3A_103 = arith.constant 0 : i32
      %dma_start3A_104 = tpu.memref_slice %arg4[%arg0, %select_n3A_28, %add3A_71, %dma_start3A_103] : memref<2x2x64x10000xf32, #tpu.memory_space<hbm>> -> memref<1x1x1x10000xf32, #tpu.memory_space<hbm>>
      %dma_start3A_105 = tpu.memref_squeeze %dma_start3A_104 : memref<1x1x1x10000xf32, #tpu.memory_space<hbm>> -> memref<10000xf32, #tpu.memory_space<hbm>>
      tpu.enqueue_dma source(%arg7 : memref<10000xf32, #tpu.memory_space<vmem>>) target(%dma_start3A_105 : memref<10000xf32, #tpu.memory_space<hbm>>) target_semaphore(%run_scoped3A : memref<!tpu.dma_semaphore, #tpu.memory_space<semaphore_mem>>)
      %dma_wait3A = arith.constant 0 : i32
      %dma_wait3A_106 = tpu.memref_slice %arg4[%arg0, %select_n3A_28, %add3A_71, %dma_wait3A] : memref<2x2x64x10000xf32, #tpu.memory_space<hbm>> -> memref<1x1x1x10000xf32, #tpu.memory_space<hbm>>
      %dma_wait3A_107 = tpu.memref_squeeze %dma_wait3A_106 : memref<1x1x1x10000xf32, #tpu.memory_space<hbm>> -> memref<10000xf32, #tpu.memory_space<hbm>>
      %dma_wait3A_108 = arith.constant 0 : i32
      %dma_wait3A_109 = tpu.memref_slice %arg4[%arg0, %select_n3A_28, %add3A_71, %dma_wait3A_108] : memref<2x2x64x10000xf32, #tpu.memory_space<hbm>> -> memref<1x1x1x10000xf32, #tpu.memory_space<hbm>>
      %dma_wait3A_110 = tpu.memref_squeeze %dma_wait3A_109 : memref<1x1x1x10000xf32, #tpu.memory_space<hbm>> -> memref<10000xf32, #tpu.memory_space<hbm>>
      tpu.wait_dma2 semaphore(%run_scoped3A : memref<!tpu.dma_semaphore, #tpu.memory_space<semaphore_mem>>) src(%arg7 : memref<10000xf32, #tpu.memory_space<vmem>>) dst(%dma_wait3A_110 : memref<10000xf32, #tpu.memory_space<hbm>>)
      tpu.yield
    }) : () -> ()
    %mul3A_72 = arith.constant 8 : i32
    %mul3A_73 = arith.muli %mul3A_72, %select_n3A_7 : i32
    %add3A_74 = arith.constant 1 : i32
    %add3A_75 = arith.addi %mul3A_73, %add3A_74 : i32
    "tpu.region"() ({
      %run_scoped3A = tpu.sem_alloc : memref<!tpu.dma_semaphore, #tpu.memory_space<semaphore_mem>>
      %dma_start3A_100 = arith.constant 0 : i32
      %dma_start3A_101 = tpu.memref_slice %arg4[%arg0, %select_n3A_28, %add3A_75, %dma_start3A_100] : memref<2x2x64x10000xf32, #tpu.memory_space<hbm>> -> memref<1x1x1x10000xf32, #tpu.memory_space<hbm>>
      %dma_start3A_102 = tpu.memref_squeeze %dma_start3A_101 : memref<1x1x1x10000xf32, #tpu.memory_space<hbm>> -> memref<10000xf32, #tpu.memory_space<hbm>>
      %dma_start3A_103 = arith.constant 0 : i32
      %dma_start3A_104 = tpu.memref_slice %arg4[%arg0, %select_n3A_28, %add3A_75, %dma_start3A_103] : memref<2x2x64x10000xf32, #tpu.memory_space<hbm>> -> memref<1x1x1x10000xf32, #tpu.memory_space<hbm>>
      %dma_start3A_105 = tpu.memref_squeeze %dma_start3A_104 : memref<1x1x1x10000xf32, #tpu.memory_space<hbm>> -> memref<10000xf32, #tpu.memory_space<hbm>>
      tpu.enqueue_dma source(%arg8 : memref<10000xf32, #tpu.memory_space<vmem>>) target(%dma_start3A_105 : memref<10000xf32, #tpu.memory_space<hbm>>) target_semaphore(%run_scoped3A : memref<!tpu.dma_semaphore, #tpu.memory_space<semaphore_mem>>)
      %dma_wait3A = arith.constant 0 : i32
      %dma_wait3A_106 = tpu.memref_slice %arg4[%arg0, %select_n3A_28, %add3A_75, %dma_wait3A] : memref<2x2x64x10000xf32, #tpu.memory_space<hbm>> -> memref<1x1x1x10000xf32, #tpu.memory_space<hbm>>
      %dma_wait3A_107 = tpu.memref_squeeze %dma_wait3A_106 : memref<1x1x1x10000xf32, #tpu.memory_space<hbm>> -> memref<10000xf32, #tpu.memory_space<hbm>>
      %dma_wait3A_108 = arith.constant 0 : i32
      %dma_wait3A_109 = tpu.memref_slice %arg4[%arg0, %select_n3A_28, %add3A_75, %dma_wait3A_108] : memref<2x2x64x10000xf32, #tpu.memory_space<hbm>> -> memref<1x1x1x10000xf32, #tpu.memory_space<hbm>>
      %dma_wait3A_110 = tpu.memref_squeeze %dma_wait3A_109 : memref<1x1x1x10000xf32, #tpu.memory_space<hbm>> -> memref<10000xf32, #tpu.memory_space<hbm>>
      tpu.wait_dma2 semaphore(%run_scoped3A : memref<!tpu.dma_semaphore, #tpu.memory_space<semaphore_mem>>) src(%arg8 : memref<10000xf32, #tpu.memory_space<vmem>>) dst(%dma_wait3A_110 : memref<10000xf32, #tpu.memory_space<hbm>>)
      tpu.yield
    }) : () -> ()
    %mul3A_76 = arith.constant 8 : i32
    %mul3A_77 = arith.muli %mul3A_76, %select_n3A_7 : i32
    %add3A_78 = arith.constant 2 : i32
    %add3A_79 = arith.addi %mul3A_77, %add3A_78 : i32
    "tpu.region"() ({
      %run_scoped3A = tpu.sem_alloc : memref<!tpu.dma_semaphore, #tpu.memory_space<semaphore_mem>>
      %dma_start3A_100 = arith.constant 0 : i32
      %dma_start3A_101 = tpu.memref_slice %arg4[%arg0, %select_n3A_28, %add3A_79, %dma_start3A_100] : memref<2x2x64x10000xf32, #tpu.memory_space<hbm>> -> memref<1x1x1x10000xf32, #tpu.memory_space<hbm>>
      %dma_start3A_102 = tpu.memref_squeeze %dma_start3A_101 : memref<1x1x1x10000xf32, #tpu.memory_space<hbm>> -> memref<10000xf32, #tpu.memory_space<hbm>>
      %dma_start3A_103 = arith.constant 0 : i32
      %dma_start3A_104 = tpu.memref_slice %arg4[%arg0, %select_n3A_28, %add3A_79, %dma_start3A_103] : memref<2x2x64x10000xf32, #tpu.memory_space<hbm>> -> memref<1x1x1x10000xf32, #tpu.memory_space<hbm>>
      %dma_start3A_105 = tpu.memref_squeeze %dma_start3A_104 : memref<1x1x1x10000xf32, #tpu.memory_space<hbm>> -> memref<10000xf32, #tpu.memory_space<hbm>>
      tpu.enqueue_dma source(%arg9 : memref<10000xf32, #tpu.memory_space<vmem>>) target(%dma_start3A_105 : memref<10000xf32, #tpu.memory_space<hbm>>) target_semaphore(%run_scoped3A : memref<!tpu.dma_semaphore, #tpu.memory_space<semaphore_mem>>)
      %dma_wait3A = arith.constant 0 : i32
      %dma_wait3A_106 = tpu.memref_slice %arg4[%arg0, %select_n3A_28, %add3A_79, %dma_wait3A] : memref<2x2x64x10000xf32, #tpu.memory_space<hbm>> -> memref<1x1x1x10000xf32, #tpu.memory_space<hbm>>
      %dma_wait3A_107 = tpu.memref_squeeze %dma_wait3A_106 : memref<1x1x1x10000xf32, #tpu.memory_space<hbm>> -> memref<10000xf32, #tpu.memory_space<hbm>>
      %dma_wait3A_108 = arith.constant 0 : i32
      %dma_wait3A_109 = tpu.memref_slice %arg4[%arg0, %select_n3A_28, %add3A_79, %dma_wait3A_108] : memref<2x2x64x10000xf32, #tpu.memory_space<hbm>> -> memref<1x1x1x10000xf32, #tpu.memory_space<hbm>>
      %dma_wait3A_110 = tpu.memref_squeeze %dma_wait3A_109 : memref<1x1x1x10000xf32, #tpu.memory_space<hbm>> -> memref<10000xf32, #tpu.memory_space<hbm>>
      tpu.wait_dma2 semaphore(%run_scoped3A : memref<!tpu.dma_semaphore, #tpu.memory_space<semaphore_mem>>) src(%arg9 : memref<10000xf32, #tpu.memory_space<vmem>>) dst(%dma_wait3A_110 : memref<10000xf32, #tpu.memory_space<hbm>>)
      tpu.yield
    }) : () -> ()
    %mul3A_80 = arith.constant 8 : i32
    %mul3A_81 = arith.muli %mul3A_80, %select_n3A_7 : i32
    %add3A_82 = arith.constant 3 : i32
    %add3A_83 = arith.addi %mul3A_81, %add3A_82 : i32
    "tpu.region"() ({
      %run_scoped3A = tpu.sem_alloc : memref<!tpu.dma_semaphore, #tpu.memory_space<semaphore_mem>>
      %dma_start3A_100 = arith.constant 0 : i32
      %dma_start3A_101 = tpu.memref_slice %arg4[%arg0, %select_n3A_28, %add3A_83, %dma_start3A_100] : memref<2x2x64x10000xf32, #tpu.memory_space<hbm>> -> memref<1x1x1x10000xf32, #tpu.memory_space<hbm>>
      %dma_start3A_102 = tpu.memref_squeeze %dma_start3A_101 : memref<1x1x1x10000xf32, #tpu.memory_space<hbm>> -> memref<10000xf32, #tpu.memory_space<hbm>>
      %dma_start3A_103 = arith.constant 0 : i32
      %dma_start3A_104 = tpu.memref_slice %arg4[%arg0, %select_n3A_28, %add3A_83, %dma_start3A_103] : memref<2x2x64x10000xf32, #tpu.memory_space<hbm>> -> memref<1x1x1x10000xf32, #tpu.memory_space<hbm>>
      %dma_start3A_105 = tpu.memref_squeeze %dma_start3A_104 : memref<1x1x1x10000xf32, #tpu.memory_space<hbm>> -> memref<10000xf32, #tpu.memory_space<hbm>>
      tpu.enqueue_dma source(%arg10 : memref<10000xf32, #tpu.memory_space<vmem>>) target(%dma_start3A_105 : memref<10000xf32, #tpu.memory_space<hbm>>) target_semaphore(%run_scoped3A : memref<!tpu.dma_semaphore, #tpu.memory_space<semaphore_mem>>)
      %dma_wait3A = arith.constant 0 : i32
      %dma_wait3A_106 = tpu.memref_slice %arg4[%arg0, %select_n3A_28, %add3A_83, %dma_wait3A] : memref<2x2x64x10000xf32, #tpu.memory_space<hbm>> -> memref<1x1x1x10000xf32, #tpu.memory_space<hbm>>
      %dma_wait3A_107 = tpu.memref_squeeze %dma_wait3A_106 : memref<1x1x1x10000xf32, #tpu.memory_space<hbm>> -> memref<10000xf32, #tpu.memory_space<hbm>>
      %dma_wait3A_108 = arith.constant 0 : i32
      %dma_wait3A_109 = tpu.memref_slice %arg4[%arg0, %select_n3A_28, %add3A_83, %dma_wait3A_108] : memref<2x2x64x10000xf32, #tpu.memory_space<hbm>> -> memref<1x1x1x10000xf32, #tpu.memory_space<hbm>>
      %dma_wait3A_110 = tpu.memref_squeeze %dma_wait3A_109 : memref<1x1x1x10000xf32, #tpu.memory_space<hbm>> -> memref<10000xf32, #tpu.memory_space<hbm>>
      tpu.wait_dma2 semaphore(%run_scoped3A : memref<!tpu.dma_semaphore, #tpu.memory_space<semaphore_mem>>) src(%arg10 : memref<10000xf32, #tpu.memory_space<vmem>>) dst(%dma_wait3A_110 : memref<10000xf32, #tpu.memory_space<hbm>>)
      tpu.yield
    }) : () -> ()
    %mul3A_84 = arith.constant 8 : i32
    %mul3A_85 = arith.muli %mul3A_84, %select_n3A_7 : i32
    %add3A_86 = arith.constant 4 : i32
    %add3A_87 = arith.addi %mul3A_85, %add3A_86 : i32
    "tpu.region"() ({
      %run_scoped3A = tpu.sem_alloc : memref<!tpu.dma_semaphore, #tpu.memory_space<semaphore_mem>>
      %dma_start3A_100 = arith.constant 0 : i32
      %dma_start3A_101 = tpu.memref_slice %arg4[%arg0, %select_n3A_28, %add3A_87, %dma_start3A_100] : memref<2x2x64x10000xf32, #tpu.memory_space<hbm>> -> memref<1x1x1x10000xf32, #tpu.memory_space<hbm>>
      %dma_start3A_102 = tpu.memref_squeeze %dma_start3A_101 : memref<1x1x1x10000xf32, #tpu.memory_space<hbm>> -> memref<10000xf32, #tpu.memory_space<hbm>>
      %dma_start3A_103 = arith.constant 0 : i32
      %dma_start3A_104 = tpu.memref_slice %arg4[%arg0, %select_n3A_28, %add3A_87, %dma_start3A_103] : memref<2x2x64x10000xf32, #tpu.memory_space<hbm>> -> memref<1x1x1x10000xf32, #tpu.memory_space<hbm>>
      %dma_start3A_105 = tpu.memref_squeeze %dma_start3A_104 : memref<1x1x1x10000xf32, #tpu.memory_space<hbm>> -> memref<10000xf32, #tpu.memory_space<hbm>>
      tpu.enqueue_dma source(%arg11 : memref<10000xf32, #tpu.memory_space<vmem>>) target(%dma_start3A_105 : memref<10000xf32, #tpu.memory_space<hbm>>) target_semaphore(%run_scoped3A : memref<!tpu.dma_semaphore, #tpu.memory_space<semaphore_mem>>)
      %dma_wait3A = arith.constant 0 : i32
      %dma_wait3A_106 = tpu.memref_slice %arg4[%arg0, %select_n3A_28, %add3A_87, %dma_wait3A] : memref<2x2x64x10000xf32, #tpu.memory_space<hbm>> -> memref<1x1x1x10000xf32, #tpu.memory_space<hbm>>
      %dma_wait3A_107 = tpu.memref_squeeze %dma_wait3A_106 : memref<1x1x1x10000xf32, #tpu.memory_space<hbm>> -> memref<10000xf32, #tpu.memory_space<hbm>>
      %dma_wait3A_108 = arith.constant 0 : i32
      %dma_wait3A_109 = tpu.memref_slice %arg4[%arg0, %select_n3A_28, %add3A_87, %dma_wait3A_108] : memref<2x2x64x10000xf32, #tpu.memory_space<hbm>> -> memref<1x1x1x10000xf32, #tpu.memory_space<hbm>>
      %dma_wait3A_110 = tpu.memref_squeeze %dma_wait3A_109 : memref<1x1x1x10000xf32, #tpu.memory_space<hbm>> -> memref<10000xf32, #tpu.memory_space<hbm>>
      tpu.wait_dma2 semaphore(%run_scoped3A : memref<!tpu.dma_semaphore, #tpu.memory_space<semaphore_mem>>) src(%arg11 : memref<10000xf32, #tpu.memory_space<vmem>>) dst(%dma_wait3A_110 : memref<10000xf32, #tpu.memory_space<hbm>>)
      tpu.yield
    }) : () -> ()
    %mul3A_88 = arith.constant 8 : i32
    %mul3A_89 = arith.muli %mul3A_88, %select_n3A_7 : i32
    %add3A_90 = arith.constant 5 : i32
    %add3A_91 = arith.addi %mul3A_89, %add3A_90 : i32
    "tpu.region"() ({
      %run_scoped3A = tpu.sem_alloc : memref<!tpu.dma_semaphore, #tpu.memory_space<semaphore_mem>>
      %dma_start3A_100 = arith.constant 0 : i32
      %dma_start3A_101 = tpu.memref_slice %arg4[%arg0, %select_n3A_28, %add3A_91, %dma_start3A_100] : memref<2x2x64x10000xf32, #tpu.memory_space<hbm>> -> memref<1x1x1x10000xf32, #tpu.memory_space<hbm>>
      %dma_start3A_102 = tpu.memref_squeeze %dma_start3A_101 : memref<1x1x1x10000xf32, #tpu.memory_space<hbm>> -> memref<10000xf32, #tpu.memory_space<hbm>>
      %dma_start3A_103 = arith.constant 0 : i32
      %dma_start3A_104 = tpu.memref_slice %arg4[%arg0, %select_n3A_28, %add3A_91, %dma_start3A_103] : memref<2x2x64x10000xf32, #tpu.memory_space<hbm>> -> memref<1x1x1x10000xf32, #tpu.memory_space<hbm>>
      %dma_start3A_105 = tpu.memref_squeeze %dma_start3A_104 : memref<1x1x1x10000xf32, #tpu.memory_space<hbm>> -> memref<10000xf32, #tpu.memory_space<hbm>>
      tpu.enqueue_dma source(%arg12 : memref<10000xf32, #tpu.memory_space<vmem>>) target(%dma_start3A_105 : memref<10000xf32, #tpu.memory_space<hbm>>) target_semaphore(%run_scoped3A : memref<!tpu.dma_semaphore, #tpu.memory_space<semaphore_mem>>)
      %dma_wait3A = arith.constant 0 : i32
      %dma_wait3A_106 = tpu.memref_slice %arg4[%arg0, %select_n3A_28, %add3A_91, %dma_wait3A] : memref<2x2x64x10000xf32, #tpu.memory_space<hbm>> -> memref<1x1x1x10000xf32, #tpu.memory_space<hbm>>
      %dma_wait3A_107 = tpu.memref_squeeze %dma_wait3A_106 : memref<1x1x1x10000xf32, #tpu.memory_space<hbm>> -> memref<10000xf32, #tpu.memory_space<hbm>>
      %dma_wait3A_108 = arith.constant 0 : i32
      %dma_wait3A_109 = tpu.memref_slice %arg4[%arg0, %select_n3A_28, %add3A_91, %dma_wait3A_108] : memref<2x2x64x10000xf32, #tpu.memory_space<hbm>> -> memref<1x1x1x10000xf32, #tpu.memory_space<hbm>>
      %dma_wait3A_110 = tpu.memref_squeeze %dma_wait3A_109 : memref<1x1x1x10000xf32, #tpu.memory_space<hbm>> -> memref<10000xf32, #tpu.memory_space<hbm>>
      tpu.wait_dma2 semaphore(%run_scoped3A : memref<!tpu.dma_semaphore, #tpu.memory_space<semaphore_mem>>) src(%arg12 : memref<10000xf32, #tpu.memory_space<vmem>>) dst(%dma_wait3A_110 : memref<10000xf32, #tpu.memory_space<hbm>>)
      tpu.yield
    }) : () -> ()
    %mul3A_92 = arith.constant 8 : i32
    %mul3A_93 = arith.muli %mul3A_92, %select_n3A_7 : i32
    %add3A_94 = arith.constant 6 : i32
    %add3A_95 = arith.addi %mul3A_93, %add3A_94 : i32
    "tpu.region"() ({
      %run_scoped3A = tpu.sem_alloc : memref<!tpu.dma_semaphore, #tpu.memory_space<semaphore_mem>>
      %dma_start3A_100 = arith.constant 0 : i32
      %dma_start3A_101 = tpu.memref_slice %arg4[%arg0, %select_n3A_28, %add3A_95, %dma_start3A_100] : memref<2x2x64x10000xf32, #tpu.memory_space<hbm>> -> memref<1x1x1x10000xf32, #tpu.memory_space<hbm>>
      %dma_start3A_102 = tpu.memref_squeeze %dma_start3A_101 : memref<1x1x1x10000xf32, #tpu.memory_space<hbm>> -> memref<10000xf32, #tpu.memory_space<hbm>>
      %dma_start3A_103 = arith.constant 0 : i32
      %dma_start3A_104 = tpu.memref_slice %arg4[%arg0, %select_n3A_28, %add3A_95, %dma_start3A_103] : memref<2x2x64x10000xf32, #tpu.memory_space<hbm>> -> memref<1x1x1x10000xf32, #tpu.memory_space<hbm>>
      %dma_start3A_105 = tpu.memref_squeeze %dma_start3A_104 : memref<1x1x1x10000xf32, #tpu.memory_space<hbm>> -> memref<10000xf32, #tpu.memory_space<hbm>>
      tpu.enqueue_dma source(%arg13 : memref<10000xf32, #tpu.memory_space<vmem>>) target(%dma_start3A_105 : memref<10000xf32, #tpu.memory_space<hbm>>) target_semaphore(%run_scoped3A : memref<!tpu.dma_semaphore, #tpu.memory_space<semaphore_mem>>)
      %dma_wait3A = arith.constant 0 : i32
      %dma_wait3A_106 = tpu.memref_slice %arg4[%arg0, %select_n3A_28, %add3A_95, %dma_wait3A] : memref<2x2x64x10000xf32, #tpu.memory_space<hbm>> -> memref<1x1x1x10000xf32, #tpu.memory_space<hbm>>
      %dma_wait3A_107 = tpu.memref_squeeze %dma_wait3A_106 : memref<1x1x1x10000xf32, #tpu.memory_space<hbm>> -> memref<10000xf32, #tpu.memory_space<hbm>>
      %dma_wait3A_108 = arith.constant 0 : i32
      %dma_wait3A_109 = tpu.memref_slice %arg4[%arg0, %select_n3A_28, %add3A_95, %dma_wait3A_108] : memref<2x2x64x10000xf32, #tpu.memory_space<hbm>> -> memref<1x1x1x10000xf32, #tpu.memory_space<hbm>>
      %dma_wait3A_110 = tpu.memref_squeeze %dma_wait3A_109 : memref<1x1x1x10000xf32, #tpu.memory_space<hbm>> -> memref<10000xf32, #tpu.memory_space<hbm>>
      tpu.wait_dma2 semaphore(%run_scoped3A : memref<!tpu.dma_semaphore, #tpu.memory_space<semaphore_mem>>) src(%arg13 : memref<10000xf32, #tpu.memory_space<vmem>>) dst(%dma_wait3A_110 : memref<10000xf32, #tpu.memory_space<hbm>>)
      tpu.yield
    }) : () -> ()
    %mul3A_96 = arith.constant 8 : i32
    %mul3A_97 = arith.muli %mul3A_96, %select_n3A_7 : i32
    %add3A_98 = arith.constant 7 : i32
    %add3A_99 = arith.addi %mul3A_97, %add3A_98 : i32
    "tpu.region"() ({
      %run_scoped3A = tpu.sem_alloc : memref<!tpu.dma_semaphore, #tpu.memory_space<semaphore_mem>>
      %dma_start3A_100 = arith.constant 0 : i32
      %dma_start3A_101 = tpu.memref_slice %arg4[%arg0, %select_n3A_28, %add3A_99, %dma_start3A_100] : memref<2x2x64x10000xf32, #tpu.memory_space<hbm>> -> memref<1x1x1x10000xf32, #tpu.memory_space<hbm>>
      %dma_start3A_102 = tpu.memref_squeeze %dma_start3A_101 : memref<1x1x1x10000xf32, #tpu.memory_space<hbm>> -> memref<10000xf32, #tpu.memory_space<hbm>>
      %dma_start3A_103 = arith.constant 0 : i32
      %dma_start3A_104 = tpu.memref_slice %arg4[%arg0, %select_n3A_28, %add3A_99, %dma_start3A_103] : memref<2x2x64x10000xf32, #tpu.memory_space<hbm>> -> memref<1x1x1x10000xf32, #tpu.memory_space<hbm>>
      %dma_start3A_105 = tpu.memref_squeeze %dma_start3A_104 : memref<1x1x1x10000xf32, #tpu.memory_space<hbm>> -> memref<10000xf32, #tpu.memory_space<hbm>>
      tpu.enqueue_dma source(%arg14 : memref<10000xf32, #tpu.memory_space<vmem>>) target(%dma_start3A_105 : memref<10000xf32, #tpu.memory_space<hbm>>) target_semaphore(%run_scoped3A : memref<!tpu.dma_semaphore, #tpu.memory_space<semaphore_mem>>)
      %dma_wait3A = arith.constant 0 : i32
      %dma_wait3A_106 = tpu.memref_slice %arg4[%arg0, %select_n3A_28, %add3A_99, %dma_wait3A] : memref<2x2x64x10000xf32, #tpu.memory_space<hbm>> -> memref<1x1x1x10000xf32, #tpu.memory_space<hbm>>
      %dma_wait3A_107 = tpu.memref_squeeze %dma_wait3A_106 : memref<1x1x1x10000xf32, #tpu.memory_space<hbm>> -> memref<10000xf32, #tpu.memory_space<hbm>>
      %dma_wait3A_108 = arith.constant 0 : i32
      %dma_wait3A_109 = tpu.memref_slice %arg4[%arg0, %select_n3A_28, %add3A_99, %dma_wait3A_108] : memref<2x2x64x10000xf32, #tpu.memory_space<hbm>> -> memref<1x1x1x10000xf32, #tpu.memory_space<hbm>>
      %dma_wait3A_110 = tpu.memref_squeeze %dma_wait3A_109 : memref<1x1x1x10000xf32, #tpu.memory_space<hbm>> -> memref<10000xf32, #tpu.memory_space<hbm>>
      tpu.wait_dma2 semaphore(%run_scoped3A : memref<!tpu.dma_semaphore, #tpu.memory_space<semaphore_mem>>) src(%arg14 : memref<10000xf32, #tpu.memory_space<vmem>>) dst(%dma_wait3A_110 : memref<10000xf32, #tpu.memory_space<hbm>>)
      tpu.yield
    }) : () -> ()
    return
  }
}

module attributes {stable_mosaic.version = 14 : i64} {
  func.func @_node_body(%arg0: i32, %arg1: memref<2000x128xf32, #tpu.memory_space<vmem>>, %arg2: memref<128x256xf32, #tpu.memory_space<vmem>>, %arg3: memref<1x256xf32, #tpu.memory_space<vmem>>, %arg4: memref<1x256xf32, #tpu.memory_space<vmem>>, %arg5: memref<1x256xf32, #tpu.memory_space<vmem>>, %arg6: memref<256x128xf32, #tpu.memory_space<vmem>>, %arg7: memref<1x128xf32, #tpu.memory_space<vmem>>, %arg8: memref<2000x256xf32, #tpu.memory_space<vmem>>) attributes {dimension_semantics = [#tpu.dimension_semantics<arbitrary>], iteration_bounds = array<i64: 5>, scalar_prefetch = 0 : i64, scratch_operands = 0 : i64, tpu.core_type = #tpu.core_type<tc>, window_params = [{transform_indices = @transform_0, window_bounds = array<i64: 2000, 128>}, {pipeline_mode = #tpu.pipeline_mode<synchronous>, transform_indices = @transform_1, window_bounds = array<i64: 128, 256>}, {pipeline_mode = #tpu.pipeline_mode<synchronous>, transform_indices = @transform_2, window_bounds = array<i64: 1, 256>}, {pipeline_mode = #tpu.pipeline_mode<synchronous>, transform_indices = @transform_3, window_bounds = array<i64: 1, 256>}, {pipeline_mode = #tpu.pipeline_mode<synchronous>, transform_indices = @transform_4, window_bounds = array<i64: 1, 256>}, {pipeline_mode = #tpu.pipeline_mode<synchronous>, transform_indices = @transform_5, window_bounds = array<i64: 256, 128>}, {pipeline_mode = #tpu.pipeline_mode<synchronous>, transform_indices = @transform_6, window_bounds = array<i64: 1, 128>}, {transform_indices = @transform_7, window_bounds = array<i64: 2000, 256>}]} {
    %get3A = arith.constant 0 : index
    %get3A_0 = arith.constant 0 : index
    %get3A_1 = vector.load %arg1[%get3A, %get3A_0] : memref<2000x128xf32, #tpu.memory_space<vmem>>, vector<2000x128xf32>
    %get3A_2 = arith.constant 0 : index
    %get3A_3 = arith.constant 0 : index
    %get3A_4 = vector.load %arg2[%get3A_2, %get3A_3] : memref<128x256xf32, #tpu.memory_space<vmem>>, vector<128x256xf32>
    %dot_general3A = arith.constant dense<0.000000e+00> : vector<2000x256xf32>
    %dot_general3A_5 = tpu.matmul %get3A_1, %get3A_4, %dot_general3A {dimension_numbers = #tpu.dot_dimension_numbers<[1], [0], [0], [1], [0, 0, 1, 1], [], []>, transpose_lhs_hint = false} : vector<2000x128xf32>, vector<128x256xf32>, vector<2000x256xf32> -> vector<2000x256xf32>
    %get3A_6 = arith.constant 0 : index
    %get3A_7 = arith.constant 0 : index
    %get3A_8 = vector.load %arg3[%get3A_6, %get3A_7] : memref<1x256xf32, #tpu.memory_space<vmem>>, vector<1x256xf32>
    %add3A = vector.broadcast %get3A_8 : vector<1x256xf32> to vector<2000x256xf32>
    %add3A_9 = arith.addf %dot_general3A_5, %add3A : vector<2000x256xf32>
    %reduce_sum3A = arith.constant dense<0.000000e+00> : vector<2000xf32>
    %reduce_sum3A_10 = vector.multi_reduction <add>, %add3A_9, %reduce_sum3A [1] : vector<2000x256xf32> to vector<2000xf32>
    %broadcast_in_dim3A = vector.shape_cast %reduce_sum3A_10 : vector<2000xf32> to vector<2000x1xf32>
    %div3A = arith.constant 2.560000e+02 : f32
    %div3A_11 = vector.broadcast %div3A : f32 to vector<2000x1xf32>
    %div3A_12 = arith.divf %broadcast_in_dim3A, %div3A_11 : vector<2000x1xf32>
    %sub3A = vector.broadcast %div3A_12 : vector<2000x1xf32> to vector<2000x256xf32>
    %sub3A_13 = arith.subf %add3A_9, %sub3A : vector<2000x256xf32>
    %mul3A = arith.mulf %sub3A_13, %sub3A_13 : vector<2000x256xf32>
    %reduce_sum3A_14 = arith.constant dense<0.000000e+00> : vector<2000xf32>
    %reduce_sum3A_15 = vector.multi_reduction <add>, %mul3A, %reduce_sum3A_14 [1] : vector<2000x256xf32> to vector<2000xf32>
    %broadcast_in_dim3A_16 = vector.shape_cast %reduce_sum3A_15 : vector<2000xf32> to vector<2000x1xf32>
    %div3A_17 = arith.constant 2.560000e+02 : f32
    %div3A_18 = vector.broadcast %div3A_17 : f32 to vector<2000x1xf32>
    %div3A_19 = arith.divf %broadcast_in_dim3A_16, %div3A_18 : vector<2000x1xf32>
    %add3A_20 = arith.constant 9.99999974E-6 : f32
    %add3A_21 = vector.broadcast %add3A_20 : f32 to vector<2000x1xf32>
    %add3A_22 = arith.addf %div3A_19, %add3A_21 : vector<2000x1xf32>
    %rsqrt3A = math.rsqrt %add3A_22 : vector<2000x1xf32>
    %mul3A_23 = vector.broadcast %rsqrt3A : vector<2000x1xf32> to vector<2000x256xf32>
    %mul3A_24 = arith.mulf %sub3A_13, %mul3A_23 : vector<2000x256xf32>
    %get3A_25 = arith.constant 0 : index
    %get3A_26 = arith.constant 0 : index
    %get3A_27 = vector.load %arg4[%get3A_25, %get3A_26] : memref<1x256xf32, #tpu.memory_space<vmem>>, vector<1x256xf32>
    %mul3A_28 = vector.broadcast %get3A_27 : vector<1x256xf32> to vector<2000x256xf32>
    %mul3A_29 = arith.mulf %mul3A_24, %mul3A_28 : vector<2000x256xf32>
    %get3A_30 = arith.constant 0 : index
    %get3A_31 = arith.constant 0 : index
    %get3A_32 = vector.load %arg5[%get3A_30, %get3A_31] : memref<1x256xf32, #tpu.memory_space<vmem>>, vector<1x256xf32>
    %add3A_33 = vector.broadcast %get3A_32 : vector<1x256xf32> to vector<2000x256xf32>
    %add3A_34 = arith.addf %mul3A_29, %add3A_33 : vector<2000x256xf32>
    %max3A = arith.constant 0.000000e+00 : f32
    %max3A_35 = vector.broadcast %max3A : f32 to vector<2000x256xf32>
    %max3A_36 = arith.maximumf %add3A_34, %max3A_35 : vector<2000x256xf32>
    %get3A_37 = arith.constant 0 : index
    %get3A_38 = arith.constant 0 : index
    %get3A_39 = vector.load %arg6[%get3A_37, %get3A_38] : memref<256x128xf32, #tpu.memory_space<vmem>>, vector<256x128xf32>
    %dot_general3A_40 = arith.constant dense<0.000000e+00> : vector<2000x128xf32>
    %dot_general3A_41 = tpu.matmul %max3A_36, %get3A_39, %dot_general3A_40 {dimension_numbers = #tpu.dot_dimension_numbers<[1], [0], [0], [1], [0, 0, 1, 1], [], []>, transpose_lhs_hint = false} : vector<2000x256xf32>, vector<256x128xf32>, vector<2000x128xf32> -> vector<2000x128xf32>
    %get3A_42 = arith.constant 0 : index
    %get3A_43 = arith.constant 0 : index
    %get3A_44 = vector.load %arg7[%get3A_42, %get3A_43] : memref<1x128xf32, #tpu.memory_space<vmem>>, vector<1x128xf32>
    %add3A_45 = vector.broadcast %get3A_44 : vector<1x128xf32> to vector<2000x128xf32>
    %add3A_46 = arith.addf %dot_general3A_41, %add3A_45 : vector<2000x128xf32>
    %swap3A = arith.constant 0 : index
    %swap3A_47 = arith.constant 0 : index
    %swap3A_48 = vector.load %arg8[%swap3A, %swap3A_47] : memref<2000x256xf32, #tpu.memory_space<vmem>>, vector<2000x128xf32>
    tpu.vector_store %arg8[%swap3A, %swap3A_47], %get3A_1 {strides = array<i32>} : memref<2000x256xf32, #tpu.memory_space<vmem>>, vector<2000x128xf32>,
    %swap3A_49 = arith.constant 0 : index
    %swap3A_50 = arith.constant 128 : index
    %swap3A_51 = vector.load %arg8[%swap3A_49, %swap3A_50] : memref<2000x256xf32, #tpu.memory_space<vmem>>, vector<2000x128xf32>
    tpu.vector_store %arg8[%swap3A_49, %swap3A_50], %add3A_46 {strides = array<i32>} : memref<2000x256xf32, #tpu.memory_space<vmem>>, vector<2000x128xf32>,
    return
  }
  func.func @transform_0(%arg0: i32) -> (i32, i32) {
    %c0_i32 = arith.constant 0 : i32
    %c0_i32_0 = arith.constant 0 : i32
    return %arg0, %c0_i32 : i32, i32
  }
  func.func @transform_1(%arg0: i32) -> (i32, i32) {
    %c0_i32 = arith.constant 0 : i32
    %c0_i32_0 = arith.constant 0 : i32
    %c0_i32_1 = arith.constant 0 : i32
    return %c0_i32, %c0_i32_0 : i32, i32
  }
  func.func @transform_2(%arg0: i32) -> (i32, i32) {
    %c0_i32 = arith.constant 0 : i32
    %c0_i32_0 = arith.constant 0 : i32
    %c0_i32_1 = arith.constant 0 : i32
    return %c0_i32, %c0_i32_0 : i32, i32
  }
  func.func @transform_3(%arg0: i32) -> (i32, i32) {
    %c0_i32 = arith.constant 0 : i32
    %c0_i32_0 = arith.constant 0 : i32
    %c0_i32_1 = arith.constant 0 : i32
    return %c0_i32, %c0_i32_0 : i32, i32
  }
  func.func @transform_4(%arg0: i32) -> (i32, i32) {
    %c0_i32 = arith.constant 0 : i32
    %c0_i32_0 = arith.constant 0 : i32
    %c0_i32_1 = arith.constant 0 : i32
    return %c0_i32, %c0_i32_0 : i32, i32
  }
  func.func @transform_5(%arg0: i32) -> (i32, i32) {
    %c0_i32 = arith.constant 0 : i32
    %c0_i32_0 = arith.constant 0 : i32
    %c0_i32_1 = arith.constant 0 : i32
    return %c0_i32, %c0_i32_0 : i32, i32
  }
  func.func @transform_6(%arg0: i32) -> (i32, i32) {
    %c0_i32 = arith.constant 0 : i32
    %c0_i32_0 = arith.constant 0 : i32
    %c0_i32_1 = arith.constant 0 : i32
    return %c0_i32, %c0_i32_0 : i32, i32
  }
  func.func @transform_7(%arg0: i32) -> (i32, i32) {
    %c0_i32 = arith.constant 0 : i32
    %c0_i32_0 = arith.constant 0 : i32
    return %arg0, %c0_i32 : i32, i32
  }
}

module attributes {stable_mosaic.version = 14 : i64} {
  func.func @_edge_body(%arg0: i32, %arg1: memref<2560x256xf32, #tpu.memory_space<vmem>>, %arg2: memref<2560x128xf32, #tpu.memory_space<vmem>>, %arg3: memref<2560x16xf32, #tpu.memory_space<vmem>>, %arg4: memref<2560x3xf32, #tpu.memory_space<vmem>>, %arg5: memref<128x16xbf16, #tpu.memory_space<vmem>>, %arg6: memref<272x512xbf16, #tpu.memory_space<vmem>>, %arg7: memref<1x512xf32, #tpu.memory_space<vmem>>, %arg8: memref<1x512xf32, #tpu.memory_space<vmem>>, %arg9: memref<1x512xf32, #tpu.memory_space<vmem>>, %arg10: memref<512x144xbf16, #tpu.memory_space<vmem>>, %arg11: memref<1x144xf32, #tpu.memory_space<vmem>>, %arg12: memref<64x2560xf32, #tpu.memory_space<vmem>>) attributes {dimension_semantics = [#tpu.dimension_semantics<arbitrary>], iteration_bounds = array<i64: 125>, scalar_prefetch = 0 : i64, scratch_operands = 0 : i64, tpu.core_type = #tpu.core_type<tc>, window_params = [{transform_indices = @transform_0, window_bounds = array<i64: 2560, 256>}, {transform_indices = @transform_1, window_bounds = array<i64: 2560, 128>}, {transform_indices = @transform_2, window_bounds = array<i64: 2560, 16>}, {transform_indices = @transform_3, window_bounds = array<i64: 2560, 3>}, {pipeline_mode = #tpu.pipeline_mode<synchronous>, transform_indices = @transform_4, window_bounds = array<i64: 128, 16>}, {pipeline_mode = #tpu.pipeline_mode<synchronous>, transform_indices = @transform_5, window_bounds = array<i64: 272, 512>}, {pipeline_mode = #tpu.pipeline_mode<synchronous>, transform_indices = @transform_6, window_bounds = array<i64: 1, 512>}, {pipeline_mode = #tpu.pipeline_mode<synchronous>, transform_indices = @transform_7, window_bounds = array<i64: 1, 512>}, {pipeline_mode = #tpu.pipeline_mode<synchronous>, transform_indices = @transform_8, window_bounds = array<i64: 1, 512>}, {pipeline_mode = #tpu.pipeline_mode<synchronous>, transform_indices = @transform_9, window_bounds = array<i64: 512, 144>}, {pipeline_mode = #tpu.pipeline_mode<synchronous>, transform_indices = @transform_10, window_bounds = array<i64: 1, 144>}, {transform_indices = @transform_11, window_bounds = array<i64: 64, 2560>}]} {
    %get3A = arith.constant 0 : index
    %get3A_0 = arith.constant 0 : index
    %get3A_1 = vector.load %arg1[%get3A, %get3A_0] : memref<2560x256xf32, #tpu.memory_space<vmem>>, vector<2560x128xf32>
    %convert_element_type3A = arith.truncf %get3A_1 : vector<2560x128xf32> to vector<2560x128xbf16>
    %get3A_2 = arith.constant 0 : index
    %get3A_3 = arith.constant 128 : index
    %get3A_4 = vector.load %arg1[%get3A_2, %get3A_3] : memref<2560x256xf32, #tpu.memory_space<vmem>>, vector<2560x128xf32>
    %get3A_5 = arith.constant 0 : index
    %get3A_6 = arith.constant 0 : index
    %get3A_7 = vector.load %arg2[%get3A_5, %get3A_6] : memref<2560x128xf32, #tpu.memory_space<vmem>>, vector<2560x128xf32>
    %convert_element_type3A_8 = arith.truncf %get3A_7 : vector<2560x128xf32> to vector<2560x128xbf16>
    %get3A_9 = arith.constant 0 : index
    %get3A_10 = arith.constant 0 : index
    %get3A_11 = vector.load %arg3[%get3A_9, %get3A_10] : memref<2560x16xf32, #tpu.memory_space<vmem>>, vector<2560x16xf32>
    %convert_element_type3A_12 = arith.truncf %get3A_11 : vector<2560x16xf32> to vector<2560x16xbf16>
    %concatenate3A = tpu.concatenate %convert_element_type3A_12, %convert_element_type3A, %convert_element_type3A_8 in 1 : vector<2560x16xbf16>, vector<2560x128xbf16>, vector<2560x128xbf16> -> vector<2560x272xbf16>
    %get3A_13 = arith.constant 0 : index
    %get3A_14 = arith.constant 0 : index
    %get3A_15 = vector.load %arg6[%get3A_13, %get3A_14] : memref<272x512xbf16, #tpu.memory_space<vmem>>, vector<272x512xbf16>
    %dot_general3A = arith.constant dense<0.000000e+00> : vector<2560x512xf32>
    %dot_general3A_16 = tpu.matmul %concatenate3A, %get3A_15, %dot_general3A {dimension_numbers = #tpu.dot_dimension_numbers<[1], [0], [0], [1], [0, 0, 1, 1], [], []>, transpose_lhs_hint = false} : vector<2560x272xbf16>, vector<272x512xbf16>, vector<2560x512xf32> -> vector<2560x512xf32>
    %get3A_17 = arith.constant 0 : index
    %get3A_18 = arith.constant 0 : index
    %get3A_19 = vector.load %arg7[%get3A_17, %get3A_18] : memref<1x512xf32, #tpu.memory_space<vmem>>, vector<1x512xf32>
    %add3A = vector.broadcast %get3A_19 : vector<1x512xf32> to vector<2560x512xf32>
    %add3A_20 = arith.addf %dot_general3A_16, %add3A : vector<2560x512xf32>
    %slice3A = vector.extract_strided_slice %add3A_20 {offsets = [0, 0], sizes = [2560, 256], strides = [1, 1]} : vector<2560x512xf32> to vector<2560x256xf32>
    %get3A_21 = arith.constant 0 : index
    %get3A_22 = arith.constant 0 : index
    %get3A_23 = vector.load %arg8[%get3A_21, %get3A_22] : memref<1x512xf32, #tpu.memory_space<vmem>>, vector<1x256xf32>
    %get3A_24 = arith.constant 0 : index
    %get3A_25 = arith.constant 0 : index
    %get3A_26 = vector.load %arg9[%get3A_24, %get3A_25] : memref<1x512xf32, #tpu.memory_space<vmem>>, vector<1x256xf32>
    %reduce_sum3A = arith.constant dense<0.000000e+00> : vector<2560xf32>
    %reduce_sum3A_27 = vector.multi_reduction <add>, %slice3A, %reduce_sum3A [1] : vector<2560x256xf32> to vector<2560xf32>
    %broadcast_in_dim3A = vector.shape_cast %reduce_sum3A_27 : vector<2560xf32> to vector<2560x1xf32>
    %div3A = arith.constant 2.560000e+02 : f32
    %div3A_28 = vector.broadcast %div3A : f32 to vector<2560x1xf32>
    %div3A_29 = arith.divf %broadcast_in_dim3A, %div3A_28 : vector<2560x1xf32>
    %sub3A = vector.broadcast %div3A_29 : vector<2560x1xf32> to vector<2560x256xf32>
    %sub3A_30 = arith.subf %slice3A, %sub3A : vector<2560x256xf32>
    %mul3A = arith.mulf %sub3A_30, %sub3A_30 : vector<2560x256xf32>
    %reduce_sum3A_31 = arith.constant dense<0.000000e+00> : vector<2560xf32>
    %reduce_sum3A_32 = vector.multi_reduction <add>, %mul3A, %reduce_sum3A_31 [1] : vector<2560x256xf32> to vector<2560xf32>
    %broadcast_in_dim3A_33 = vector.shape_cast %reduce_sum3A_32 : vector<2560xf32> to vector<2560x1xf32>
    %div3A_34 = arith.constant 2.560000e+02 : f32
    %div3A_35 = vector.broadcast %div3A_34 : f32 to vector<2560x1xf32>
    %div3A_36 = arith.divf %broadcast_in_dim3A_33, %div3A_35 : vector<2560x1xf32>
    %add3A_37 = arith.constant 9.99999974E-6 : f32
    %add3A_38 = vector.broadcast %add3A_37 : f32 to vector<2560x1xf32>
    %add3A_39 = arith.addf %div3A_36, %add3A_38 : vector<2560x1xf32>
    %rsqrt3A = math.rsqrt %add3A_39 : vector<2560x1xf32>
    %mul3A_40 = vector.broadcast %rsqrt3A : vector<2560x1xf32> to vector<2560x256xf32>
    %mul3A_41 = arith.mulf %sub3A_30, %mul3A_40 : vector<2560x256xf32>
    %mul3A_42 = vector.broadcast %get3A_23 : vector<1x256xf32> to vector<2560x256xf32>
    %mul3A_43 = arith.mulf %mul3A_41, %mul3A_42 : vector<2560x256xf32>
    %add3A_44 = vector.broadcast %get3A_26 : vector<1x256xf32> to vector<2560x256xf32>
    %add3A_45 = arith.addf %mul3A_43, %add3A_44 : vector<2560x256xf32>
    %max3A = arith.constant 0.000000e+00 : f32
    %max3A_46 = vector.broadcast %max3A : f32 to vector<2560x256xf32>
    %max3A_47 = arith.maximumf %add3A_45, %max3A_46 : vector<2560x256xf32>
    %convert_element_type3A_48 = arith.truncf %max3A_47 : vector<2560x256xf32> to vector<2560x256xbf16>
    %slice3A_49 = vector.extract_strided_slice %add3A_20 {offsets = [0, 256], sizes = [2560, 256], strides = [1, 1]} : vector<2560x512xf32> to vector<2560x256xf32>
    %get3A_50 = arith.constant 0 : index
    %get3A_51 = arith.constant 256 : index
    %get3A_52 = vector.load %arg8[%get3A_50, %get3A_51] : memref<1x512xf32, #tpu.memory_space<vmem>>, vector<1x256xf32>
    %get3A_53 = arith.constant 0 : index
    %get3A_54 = arith.constant 256 : index
    %get3A_55 = vector.load %arg9[%get3A_53, %get3A_54] : memref<1x512xf32, #tpu.memory_space<vmem>>, vector<1x256xf32>
    %reduce_sum3A_56 = arith.constant dense<0.000000e+00> : vector<2560xf32>
    %reduce_sum3A_57 = vector.multi_reduction <add>, %slice3A_49, %reduce_sum3A_56 [1] : vector<2560x256xf32> to vector<2560xf32>
    %broadcast_in_dim3A_58 = vector.shape_cast %reduce_sum3A_57 : vector<2560xf32> to vector<2560x1xf32>
    %div3A_59 = arith.constant 2.560000e+02 : f32
    %div3A_60 = vector.broadcast %div3A_59 : f32 to vector<2560x1xf32>
    %div3A_61 = arith.divf %broadcast_in_dim3A_58, %div3A_60 : vector<2560x1xf32>
    %sub3A_62 = vector.broadcast %div3A_61 : vector<2560x1xf32> to vector<2560x256xf32>
    %sub3A_63 = arith.subf %slice3A_49, %sub3A_62 : vector<2560x256xf32>
    %mul3A_64 = arith.mulf %sub3A_63, %sub3A_63 : vector<2560x256xf32>
    %reduce_sum3A_65 = arith.constant dense<0.000000e+00> : vector<2560xf32>
    %reduce_sum3A_66 = vector.multi_reduction <add>, %mul3A_64, %reduce_sum3A_65 [1] : vector<2560x256xf32> to vector<2560xf32>
    %broadcast_in_dim3A_67 = vector.shape_cast %reduce_sum3A_66 : vector<2560xf32> to vector<2560x1xf32>
    %div3A_68 = arith.constant 2.560000e+02 : f32
    %div3A_69 = vector.broadcast %div3A_68 : f32 to vector<2560x1xf32>
    %div3A_70 = arith.divf %broadcast_in_dim3A_67, %div3A_69 : vector<2560x1xf32>
    %add3A_71 = arith.constant 9.99999974E-6 : f32
    %add3A_72 = vector.broadcast %add3A_71 : f32 to vector<2560x1xf32>
    %add3A_73 = arith.addf %div3A_70, %add3A_72 : vector<2560x1xf32>
    %rsqrt3A_74 = math.rsqrt %add3A_73 : vector<2560x1xf32>
    %mul3A_75 = vector.broadcast %rsqrt3A_74 : vector<2560x1xf32> to vector<2560x256xf32>
    %mul3A_76 = arith.mulf %sub3A_63, %mul3A_75 : vector<2560x256xf32>
    %mul3A_77 = vector.broadcast %get3A_52 : vector<1x256xf32> to vector<2560x256xf32>
    %mul3A_78 = arith.mulf %mul3A_76, %mul3A_77 : vector<2560x256xf32>
    %add3A_79 = vector.broadcast %get3A_55 : vector<1x256xf32> to vector<2560x256xf32>
    %add3A_80 = arith.addf %mul3A_78, %add3A_79 : vector<2560x256xf32>
    %max3A_81 = arith.constant 0.000000e+00 : f32
    %max3A_82 = vector.broadcast %max3A_81 : f32 to vector<2560x256xf32>
    %max3A_83 = arith.maximumf %add3A_80, %max3A_82 : vector<2560x256xf32>
    %convert_element_type3A_84 = arith.truncf %max3A_83 : vector<2560x256xf32> to vector<2560x256xbf16>
    %concatenate3A_85 = tpu.concatenate %convert_element_type3A_48, %convert_element_type3A_84 in 1 : vector<2560x256xbf16>, vector<2560x256xbf16> -> vector<2560x512xbf16>
    %get3A_86 = arith.constant 0 : index
    %get3A_87 = arith.constant 0 : index
    %get3A_88 = vector.load %arg10[%get3A_86, %get3A_87] : memref<512x144xbf16, #tpu.memory_space<vmem>>, vector<512x144xbf16>
    %dot_general3A_89 = arith.constant dense<0.000000e+00> : vector<2560x144xf32>
    %dot_general3A_90 = tpu.matmul %concatenate3A_85, %get3A_88, %dot_general3A_89 {dimension_numbers = #tpu.dot_dimension_numbers<[1], [0], [0], [1], [0, 0, 1, 1], [], []>, transpose_lhs_hint = false} : vector<2560x512xbf16>, vector<512x144xbf16>, vector<2560x144xf32> -> vector<2560x144xf32>
    %get3A_91 = arith.constant 0 : index
    %get3A_92 = arith.constant 0 : index
    %get3A_93 = vector.load %arg11[%get3A_91, %get3A_92] : memref<1x144xf32, #tpu.memory_space<vmem>>, vector<1x144xf32>
    %add3A_94 = vector.broadcast %get3A_93 : vector<1x144xf32> to vector<2560x144xf32>
    %add3A_95 = arith.addf %dot_general3A_90, %add3A_94 : vector<2560x144xf32>
    %slice3A_96 = vector.extract_strided_slice %add3A_95 {offsets = [0, 0], sizes = [2560, 128], strides = [1, 1]} : vector<2560x144xf32> to vector<2560x128xf32>
    %slice3A_97 = vector.extract_strided_slice %add3A_95 {offsets = [0, 128], sizes = [2560, 16], strides = [1, 1]} : vector<2560x144xf32> to vector<2560x16xf32>
    %mul3A_98 = arith.mulf %get3A_4, %slice3A_96 : vector<2560x128xf32>
    %mul3A_99 = arith.constant 0.353553385 : f32
    %mul3A_100 = vector.broadcast %mul3A_99 : f32 to vector<2560x128xf32>
    %mul3A_101 = arith.mulf %mul3A_98, %mul3A_100 : vector<2560x128xf32>
    %convert_element_type3A_102 = arith.truncf %mul3A_101 : vector<2560x128xf32> to vector<2560x128xbf16>
    %get3A_103 = arith.constant 0 : index
    %get3A_104 = arith.constant 0 : index
    %get3A_105 = vector.load %arg5[%get3A_103, %get3A_104] : memref<128x16xbf16, #tpu.memory_space<vmem>>, vector<128x16xbf16>
    %dot_general3A_106 = arith.constant dense<0.000000e+00> : vector<2560x16xf32>
    %dot_general3A_107 = tpu.matmul %convert_element_type3A_102, %get3A_105, %dot_general3A_106 {dimension_numbers = #tpu.dot_dimension_numbers<[1], [0], [0], [1], [0, 0, 1, 1], [], []>, transpose_lhs_hint = false} : vector<2560x128xbf16>, vector<128x16xbf16>, vector<2560x16xf32> -> vector<2560x16xf32>
    %exp3A = math.exp %dot_general3A_107 : vector<2560x16xf32>
    %mul3A_108 = arith.mulf %exp3A, %slice3A_97 : vector<2560x16xf32>
    %transpose3A = tpu.transpose %exp3A, [1, 0] : vector<2560x16xf32> -> vector<16x2560xf32>
    %transpose3A_109 = tpu.transpose %mul3A_108, [1, 0] : vector<2560x16xf32> -> vector<16x2560xf32>
    %get3A_110 = arith.constant 0 : index
    %get3A_111 = arith.constant 0 : index
    %get3A_112 = vector.load %arg4[%get3A_110, %get3A_111] : memref<2560x3xf32, #tpu.memory_space<vmem>>, vector<2560x3xf32>
    %transpose3A_113 = tpu.transpose %get3A_112, [1, 0] : vector<2560x3xf32> -> vector<3x2560xf32>
    %slice3A_114 = vector.extract_strided_slice %transpose3A_113 {offsets = [0, 0], sizes = [1, 2560], strides = [1, 1]} : vector<3x2560xf32> to vector<1x2560xf32>
    %mul3A_115 = vector.broadcast %slice3A_114 : vector<1x2560xf32> to vector<16x2560xf32>
    %mul3A_116 = arith.mulf %transpose3A_109, %mul3A_115 : vector<16x2560xf32>
    %slice3A_117 = vector.extract_strided_slice %transpose3A_113 {offsets = [1, 0], sizes = [1, 2560], strides = [1, 1]} : vector<3x2560xf32> to vector<1x2560xf32>
    %mul3A_118 = vector.broadcast %slice3A_117 : vector<1x2560xf32> to vector<16x2560xf32>
    %mul3A_119 = arith.mulf %transpose3A_109, %mul3A_118 : vector<16x2560xf32>
    %slice3A_120 = vector.extract_strided_slice %transpose3A_113 {offsets = [2, 0], sizes = [1, 2560], strides = [1, 1]} : vector<3x2560xf32> to vector<1x2560xf32>
    %mul3A_121 = vector.broadcast %slice3A_120 : vector<1x2560xf32> to vector<16x2560xf32>
    %mul3A_122 = arith.mulf %transpose3A_109, %mul3A_121 : vector<16x2560xf32>
    %concatenate3A_123 = tpu.concatenate %transpose3A, %mul3A_116, %mul3A_119, %mul3A_122 in 0 : vector<16x2560xf32>, vector<16x2560xf32>, vector<16x2560xf32>, vector<16x2560xf32> -> vector<64x2560xf32>
    %swap3A = arith.constant 0 : index
    %swap3A_124 = arith.constant 0 : index
    %swap3A_125 = vector.load %arg12[%swap3A, %swap3A_124] : memref<64x2560xf32, #tpu.memory_space<vmem>>, vector<64x2560xf32>
    tpu.vector_store %arg12[%swap3A, %swap3A_124], %concatenate3A_123 {strides = array<i32>} : memref<64x2560xf32, #tpu.memory_space<vmem>>, vector<64x2560xf32>,
    return
  }
  func.func @transform_0(%arg0: i32) -> (i32, i32) {
    %c0_i32 = arith.constant 0 : i32
    %c0_i32_0 = arith.constant 0 : i32
    return %arg0, %c0_i32 : i32, i32
  }
  func.func @transform_1(%arg0: i32) -> (i32, i32) {
    %c0_i32 = arith.constant 0 : i32
    %c0_i32_0 = arith.constant 0 : i32
    return %arg0, %c0_i32 : i32, i32
  }
  func.func @transform_2(%arg0: i32) -> (i32, i32) {
    %c0_i32 = arith.constant 0 : i32
    %c0_i32_0 = arith.constant 0 : i32
    return %arg0, %c0_i32 : i32, i32
  }
  func.func @transform_3(%arg0: i32) -> (i32, i32) {
    %c0_i32 = arith.constant 0 : i32
    %c0_i32_0 = arith.constant 0 : i32
    return %arg0, %c0_i32 : i32, i32
  }
  func.func @transform_4(%arg0: i32) -> (i32, i32) {
    %c0_i32 = arith.constant 0 : i32
    %c0_i32_0 = arith.constant 0 : i32
    %c0_i32_1 = arith.constant 0 : i32
    return %c0_i32, %c0_i32_0 : i32, i32
  }
  func.func @transform_5(%arg0: i32) -> (i32, i32) {
    %c0_i32 = arith.constant 0 : i32
    %c0_i32_0 = arith.constant 0 : i32
    %c0_i32_1 = arith.constant 0 : i32
    return %c0_i32, %c0_i32_0 : i32, i32
  }
  func.func @transform_6(%arg0: i32) -> (i32, i32) {
    %c0_i32 = arith.constant 0 : i32
    %c0_i32_0 = arith.constant 0 : i32
    %c0_i32_1 = arith.constant 0 : i32
    return %c0_i32, %c0_i32_0 : i32, i32
  }
  func.func @transform_7(%arg0: i32) -> (i32, i32) {
    %c0_i32 = arith.constant 0 : i32
    %c0_i32_0 = arith.constant 0 : i32
    %c0_i32_1 = arith.constant 0 : i32
    return %c0_i32, %c0_i32_0 : i32, i32
  }
  func.func @transform_8(%arg0: i32) -> (i32, i32) {
    %c0_i32 = arith.constant 0 : i32
    %c0_i32_0 = arith.constant 0 : i32
    %c0_i32_1 = arith.constant 0 : i32
    return %c0_i32, %c0_i32_0 : i32, i32
  }
  func.func @transform_9(%arg0: i32) -> (i32, i32) {
    %c0_i32 = arith.constant 0 : i32
    %c0_i32_0 = arith.constant 0 : i32
    %c0_i32_1 = arith.constant 0 : i32
    return %c0_i32, %c0_i32_0 : i32, i32
  }
  func.func @transform_10(%arg0: i32) -> (i32, i32) {
    %c0_i32 = arith.constant 0 : i32
    %c0_i32_0 = arith.constant 0 : i32
    %c0_i32_1 = arith.constant 0 : i32
    return %c0_i32, %c0_i32_0 : i32, i32
  }
  func.func @transform_11(%arg0: i32) -> (i32, i32) {
    %c0_i32 = arith.constant 0 : i32
    %c0_i32_0 = arith.constant 0 : i32
    return %c0_i32, %arg0 : i32, i32
  }
}

module attributes {stable_mosaic.version = 14 : i64} {
  func.func @_fin_body(%arg0: i32, %arg1: memref<64x10000xf32, #tpu.memory_space<vmem>>, %arg2: memref<64x10000xf32, #tpu.memory_space<vmem>>, %arg3: memref<64x10000xf32, #tpu.memory_space<vmem>>, %arg4: memref<64x10000xf32, #tpu.memory_space<vmem>>, %arg5: memref<3x10000xf32, #tpu.memory_space<vmem>>) attributes {dimension_semantics = [#tpu.dimension_semantics<arbitrary>], iteration_bounds = array<i64: 1>, scalar_prefetch = 0 : i64, scratch_operands = 0 : i64, tpu.core_type = #tpu.core_type<tc>, window_params = [{pipeline_mode = #tpu.pipeline_mode<synchronous>, transform_indices = @transform_0, window_bounds = array<i64: 64, 10000>}, {pipeline_mode = #tpu.pipeline_mode<synchronous>, transform_indices = @transform_1, window_bounds = array<i64: 64, 10000>}, {pipeline_mode = #tpu.pipeline_mode<synchronous>, transform_indices = @transform_2, window_bounds = array<i64: 64, 10000>}, {pipeline_mode = #tpu.pipeline_mode<synchronous>, transform_indices = @transform_3, window_bounds = array<i64: 64, 10000>}, {pipeline_mode = #tpu.pipeline_mode<synchronous>, transform_indices = @transform_4, window_bounds = array<i64: 3, 10000>}]} {
    %get3A = arith.constant 0 : index
    %get3A_0 = arith.constant 0 : index
    %get3A_1 = vector.load %arg1[%get3A, %get3A_0] : memref<64x10000xf32, #tpu.memory_space<vmem>>, vector<64x10000xf32>
    %get3A_2 = arith.constant 0 : index
    %get3A_3 = arith.constant 0 : index
    %get3A_4 = vector.load %arg2[%get3A_2, %get3A_3] : memref<64x10000xf32, #tpu.memory_space<vmem>>, vector<64x10000xf32>
    %add3A = arith.addf %get3A_1, %get3A_4 : vector<64x10000xf32>
    %get3A_5 = arith.constant 0 : index
    %get3A_6 = arith.constant 0 : index
    %get3A_7 = vector.load %arg3[%get3A_5, %get3A_6] : memref<64x10000xf32, #tpu.memory_space<vmem>>, vector<64x10000xf32>
    %add3A_8 = arith.addf %add3A, %get3A_7 : vector<64x10000xf32>
    %get3A_9 = arith.constant 0 : index
    %get3A_10 = arith.constant 0 : index
    %get3A_11 = vector.load %arg4[%get3A_9, %get3A_10] : memref<64x10000xf32, #tpu.memory_space<vmem>>, vector<64x10000xf32>
    %add3A_12 = arith.addf %add3A_8, %get3A_11 : vector<64x10000xf32>
    %slice3A = vector.extract_strided_slice %add3A_12 {offsets = [0, 0], sizes = [16, 10000], strides = [1, 1]} : vector<64x10000xf32> to vector<16x10000xf32>
    %add3A_13 = arith.constant 1.000000e-16 : f32
    %add3A_14 = vector.broadcast %add3A_13 : f32 to vector<16x10000xf32>
    %add3A_15 = arith.addf %slice3A, %add3A_14 : vector<16x10000xf32>
    %slice3A_16 = vector.extract_strided_slice %add3A_12 {offsets = [16, 0], sizes = [16, 10000], strides = [1, 1]} : vector<64x10000xf32> to vector<16x10000xf32>
    %div3A = arith.divf %slice3A_16, %add3A_15 : vector<16x10000xf32>
    %reduce_sum3A = arith.constant dense<0.000000e+00> : vector<10000xf32>
    %reduce_sum3A_17 = vector.multi_reduction <add>, %div3A, %reduce_sum3A [0] : vector<16x10000xf32> to vector<10000xf32>
    %broadcast_in_dim3A = vector.shape_cast %reduce_sum3A_17 : vector<10000xf32> to vector<1x10000xf32>
    %mul3A = arith.constant 6.250000e-02 : f32
    %mul3A_18 = vector.broadcast %mul3A : f32 to vector<1x10000xf32>
    %mul3A_19 = arith.mulf %broadcast_in_dim3A, %mul3A_18 : vector<1x10000xf32>
    %slice3A_20 = vector.extract_strided_slice %add3A_12 {offsets = [32, 0], sizes = [16, 10000], strides = [1, 1]} : vector<64x10000xf32> to vector<16x10000xf32>
    %div3A_21 = arith.divf %slice3A_20, %add3A_15 : vector<16x10000xf32>
    %reduce_sum3A_22 = arith.constant dense<0.000000e+00> : vector<10000xf32>
    %reduce_sum3A_23 = vector.multi_reduction <add>, %div3A_21, %reduce_sum3A_22 [0] : vector<16x10000xf32> to vector<10000xf32>
    %broadcast_in_dim3A_24 = vector.shape_cast %reduce_sum3A_23 : vector<10000xf32> to vector<1x10000xf32>
    %mul3A_25 = arith.constant 6.250000e-02 : f32
    %mul3A_26 = vector.broadcast %mul3A_25 : f32 to vector<1x10000xf32>
    %mul3A_27 = arith.mulf %broadcast_in_dim3A_24, %mul3A_26 : vector<1x10000xf32>
    %slice3A_28 = vector.extract_strided_slice %add3A_12 {offsets = [48, 0], sizes = [16, 10000], strides = [1, 1]} : vector<64x10000xf32> to vector<16x10000xf32>
    %div3A_29 = arith.divf %slice3A_28, %add3A_15 : vector<16x10000xf32>
    %reduce_sum3A_30 = arith.constant dense<0.000000e+00> : vector<10000xf32>
    %reduce_sum3A_31 = vector.multi_reduction <add>, %div3A_29, %reduce_sum3A_30 [0] : vector<16x10000xf32> to vector<10000xf32>
    %broadcast_in_dim3A_32 = vector.shape_cast %reduce_sum3A_31 : vector<10000xf32> to vector<1x10000xf32>
    %mul3A_33 = arith.constant 6.250000e-02 : f32
    %mul3A_34 = vector.broadcast %mul3A_33 : f32 to vector<1x10000xf32>
    %mul3A_35 = arith.mulf %broadcast_in_dim3A_32, %mul3A_34 : vector<1x10000xf32>
    %concatenate3A = tpu.concatenate %mul3A_19, %mul3A_27, %mul3A_35 in 0 : vector<1x10000xf32>, vector<1x10000xf32>, vector<1x10000xf32> -> vector<3x10000xf32>
    %swap3A = arith.constant 0 : index
    %swap3A_36 = arith.constant 0 : index
    %swap3A_37 = vector.load %arg5[%swap3A, %swap3A_36] : memref<3x10000xf32, #tpu.memory_space<vmem>>, vector<3x10000xf32>
    tpu.vector_store %arg5[%swap3A, %swap3A_36], %concatenate3A {strides = array<i32>} : memref<3x10000xf32, #tpu.memory_space<vmem>>, vector<3x10000xf32>,
    return
  }
  func.func @transform_0(%arg0: i32) -> (i32, i32) {
    %c0_i32 = arith.constant 0 : i32
    %c0_i32_0 = arith.constant 0 : i32
    %c0_i32_1 = arith.constant 0 : i32
    return %c0_i32, %c0_i32_0 : i32, i32
  }
  func.func @transform_1(%arg0: i32) -> (i32, i32) {
    %c0_i32 = arith.constant 0 : i32
    %c0_i32_0 = arith.constant 0 : i32
    %c0_i32_1 = arith.constant 0 : i32
    return %c0_i32, %c0_i32_0 : i32, i32
  }
  func.func @transform_2(%arg0: i32) -> (i32, i32) {
    %c0_i32 = arith.constant 0 : i32
    %c0_i32_0 = arith.constant 0 : i32
    %c0_i32_1 = arith.constant 0 : i32
    return %c0_i32, %c0_i32_0 : i32, i32
  }
  func.func @transform_3(%arg0: i32) -> (i32, i32) {
    %c0_i32 = arith.constant 0 : i32
    %c0_i32_0 = arith.constant 0 : i32
    %c0_i32_1 = arith.constant 0 : i32
    return %c0_i32, %c0_i32_0 : i32, i32
  }
  func.func @transform_4(%arg0: i32) -> (i32, i32) {
    %c0_i32 = arith.constant 0 : i32
    %c0_i32_0 = arith.constant 0 : i32
    %c0_i32_1 = arith.constant 0 : i32
    return %c0_i32, %c0_i32_0 : i32, i32
  }
}

</mosaic_0001>

<sc_bundles>
// kernel: kernel.10.cloned.1.call-start
scs
__scs_entry_jumppad:
0x0: {  	(pc) =	sbr.rel $0x88, $3  }
0x1: {  	(tag) =	ssettag $0x0;
	lr =	simm.s32 $0x1  }
0x2: {  	[smem:$0x3F8B] =	sst lr;
	_ =	strace $0xD0000000  }
0x3: {  	_ = 	snop  }
0x4: {  	_ = 	snop  }
0x5: {  	_ = 	snop  }
0x6: {  	_ = 	snop  }
0x7: {  	_ = 	snop  }
__scs_overlays_trampoline_lowered:
0x8: {  	[smem:$0x3F9A] =	sst s0  }
0x9: {  	[smem:$0x3F9B] =	sst s1  }
0xa: {  	[smem:$0x3F9C] =	sst s2  }
0xb: {  	[smem:$0x3F9D] =	sst s3  }
0xc: {  	[smem:$0x3F9E] =	sst s4  }
0xd: {  	[smem:$0x3F9F] =	sst s5  }
0xe: {  	[smem:$0x3FA0] =	sst s6  }
0xf: {  	[smem:$0x3FA1] =	sst s7  }
0x10: {  	[smem:$0x3FA2] =	sst s8  }
0x11: {  	[smem:$0x3FA3] =	sst s9;
	s0 =	simm.s32 @!p0 $0x0  }
0x12: {  	s1 =	sld [smem:$0x3F89];
	s0 =	simm.s32 @p0 $0x1  }
0x13: {  	[smem:$0x3FA4] =	sst s0;
	s0 =	simm.s32 @!p1 $0x0  }
0x14: {  	s2 =	sld [smem:$0x3F88];
	s0 =	simm.s32 @p1 $0x1  }
0x15: {  	[smem:$0x3FA5] =	sst s0;
	s0 =	simm.s32 @!p2 $0x0  }
0x16: {  	s3 =	sld [smem:$0x3FDB];
	s0 =	simm.s32 @p2 $0x1  }
0x17: {  	s4 =	simm.s32 $0x1BF5;
	[smem:$0x3FA7] =	sst s0  }
0x18: {  	s0 =	sld [smem:$0x3F8A];
	_ =	swait.ge [sflag:s4], $0x0  }
0x19: {  	s7 =	sld [smem:$0x3F8B]  }
0x1a: {  	s8 =	sadd.s32 $0xFFFFE003, lr  }
0x1b: {  	s9 =	sadd.s32 $0xFFFFFEF7, lr;
	s5 =	simm.s32 $0xFFFFFFFF;
	p2 =	slt.u32 s8, $0xFFFFF086  }
0x1c: {  	p1 =	slt.u32 s9, $0xF7A;
	s5 =	simm.s32 @!p2 $0x0  }
0x1d: {  	s5 =	simm.s32 @p1 $0x1;
	p0 =	seq.s32 s7, s2  }
0x1e: {  	s7 =	smul.u32 @!p0 $0xF7A, s2;
	p2 =	seq.s32 @!p0 s5, $0x0  }
0x1f: {  	s9 =	smul.u32 $0xF7A, s1;
	s8 =	simm.s32 @!p0 $0x1BF5;
	p2 =	por !p2, p0  }
0x20: {  	[sflag:s8] =	ssyncset.s32 @!p0 $0xFFFFF086;
	s6 =	sadd.s32 @!p0 s3, s7;
	s7 =	simm.s32 @!p0 $0x108  }
0x21: {  	s3 =	sadd.s32 s3, s9;
	s6 =	sadd.s32 @!p0 $0x88, s6;
	s7 =	simm.s32 @p2 $0x1082  }
0x22: {  	[simem:s7], [sflag:s8] =	dma.local @!p0 [hbm:s6], $0xF7A  }
0x23: {  	s9 =	sor.u32 $0xD0000000, s2;
	s6 =	simm.s32 $0x108;
	_ =	swait.ge @!p0 [sflag:s8], $0x0  }
0x24: {  	s3 =	sadd.s32 $0x88, s3;
	s6 =	simm.s32 @!p1 $0x1082;
	[sflag:s4] =	ssyncset.s32 $0xFFFFF086  }
0x25: {  	[simem:s6], [sflag:s4] =	dma.local [hbm:s3], $0xF7A  }
0x26: {  	[smem:$0x3F8B] =	sst s1;
	(tag) =	ssettag s2;
	_ =	strace s9  }
0x27: {  	s1 =	sld [smem:$0x3F9B]  }
0x28: {  	s2 =	sld [smem:$0x3F9C]  }
0x29: {  	s4 =	sld [smem:$0x3F9E]  }
0x2a: {  	p0 =	seq.s32 s5, $0x0;
	s5 =	sld [smem:$0x3F9F]  }
0x2b: {  	s6 =	sld [smem:$0x3FA0]  }
0x2c: {  	s7 =	sld [smem:$0x3FA1]  }
0x2d: {  	s3 =	simm.s32 $0x108;
	s8 =	sld [smem:$0x3FA2]  }
0x2e: {  	s3 =	simm.s32 @!p0 $0x1082;
	s9 =	sld [smem:$0x3FA3]  }
0x2f: {  	lr =	sadd.s32 s0, s3;
	s0 =	sld [smem:$0x3F9A]  }
0x30: {  	s3 =	sld [smem:$0x3F9D]  }
0x31: {  	[smem:$0x3FA6] =	sst s10  }
0x32: {  	s10 =	sld [smem:$0x3FA4];
	_ =	sdelay $0x3  }
0x33: {  	p0 =	seq.s32 s10, $0x1;
	s10 =	sld [smem:$0x3FA6];
	_ =	sdelay $0x3  }
0x34: {  	[smem:$0x3FA6] =	sst s10  }
0x35: {  	s10 =	sld [smem:$0x3FA5];
	_ =	sdelay $0x3  }
0x36: {  	p1 =	seq.s32 s10, $0x1;
	s10 =	sld [smem:$0x3FA6];
	_ =	sdelay $0x3  }
0x37: {  	[smem:$0x3FA6] =	sst s10  }
0x38: {  	s10 =	sld [smem:$0x3FA7]  }
0x39: {  	_ = 	snop;
	(pc) =	sbr.ind lr, $3  }
0x3a: {  	_ = 	snop  }
0x3b: {  	_ = 	snop  }
0x3c: {  	p2 =	seq.s32 s10, $0x1;
	s10 =	sld [smem:$0x3FA6]  }
0x3d: {  	_ =	shalt  }
0x3e: {  	_ =	shalt  }
0x3f: {  	_ =	shalt  }
0x40: {  	_ =	shalt  }
0x41: {  	_ =	shalt  }
0x42: {  	_ =	shalt  }
0x43: {  	_ =	shalt  }
0x44: {  	_ =	shalt  }
0x45: {  	_ =	shalt  }
0x46: {  	_ =	shalt  }
0x47: {  	_ =	shalt  }
0x48: {  	_ =	shalt  }
0x49: {  	_ =	shalt  }
0x4a: {  	_ =	shalt  }
0x4b: {  	_ =	shalt  }
0x4c: {  	_ =	shalt  }
0x4d: {  	_ =	shalt  }
0x4e: {  	_ =	shalt  }
0x4f: {  	_ =	shalt  }
0x50: {  	_ =	shalt  }
0x51: {  	_ =	shalt  }
0x52: {  	_ =	shalt  }
0x53: {  	_ =	shalt  }
0x54: {  	_ =	shalt  }
0x55: {  	_ =	shalt  }
0x56: {  	_ =	shalt  }
0x57: {  	_ =	shalt  }
0x58: {  	_ =	shalt  }
0x59: {  	_ =	shalt  }
0x5a: {  	_ =	shalt  }
0x5b: {  	_ =	shalt  }
0x5c: {  	_ =	shalt  }
0x5d: {  	_ =	shalt  }
0x5e: {  	_ =	shalt  }
0x5f: {  	_ =	shalt  }
0x60: {  	_ =	shalt  }
0x61: {  	_ =	shalt  }
0x62: {  	_ =	shalt  }
0x63: {  	_ =	shalt  }
0x64: {  	_ =	shalt  }
0x65: {  	_ =	shalt  }
0x66: {  	_ =	shalt  }
0x67: {  	_ =	shalt  }
0x68: {  	_ =	shalt  }
0x69: {  	_ =	shalt  }
0x6a: {  	_ =	shalt  }
0x6b: {  	_ =	shalt  }
0x6c: {  	_ =	shalt  }
0x6d: {  	_ =	shalt  }
0x6e: {  	_ =	shalt  }
0x6f: {  	_ =	shalt  }
0x70: {  	_ =	shalt  }
0x71: {  	_ =	shalt  }
0x72: {  	_ =	shalt  }
0x73: {  	_ =	shalt  }
0x74: {  	_ =	shalt  }
0x75: {  	_ =	shalt  }
0x76: {  	_ =	shalt  }
0x77: {  	_ =	shalt  }
0x78: {  	_ =	shalt  }
0x79: {  	_ =	shalt  }
0x7a: {  	_ =	shalt  }
0x7b: {  	_ =	shalt  }
0x7c: {  	_ =	shalt  }
0x7d: {  	_ =	shalt  }
0x7e: {  	_ =	shalt  }
0x7f: {  	_ =	shalt  }
0x80: {  	_ =	shalt  }
0x81: {  	_ =	shalt  }
0x82: {  	_ =	shalt  }
0x83: {  	_ =	shalt  }
0x84: {  	_ =	shalt  }
0x85: {  	_ =	shalt  }
0x86: {  	_ =	shalt  }
0x87: {  	_ =	shalt  }
.Lfunc_end0:
.L_simem_size_0:
called_computation.1_lowered:
.L_overlay_start_0:
0x88: {  	s2 =	sld [smem:$0x3FD9]  }
0x89: {  	s3 =	sld [smem:$0x3FFE];
	_ =	sdelay $0x1  }
0x8a: {  	s1 =	srdreg.scid  }
0x8b: {  	s0 =	sand.u32 $0x1, s1  }
0x8c: {  	s16 =	sshll.u32 s0, $0xA;
	s2 =	sadd.s32 s3, s2  }
0x8d: {  	s2 =	sadd.s32 s2, s16  }
0x8e: {  	[smem:$0x3FB2] =	sst s2  }
0x8f: {  	_ = 	snop  }
0x90: {  	(tm) =	ssettm $0x1  }
0x91: {  	s17 =	sld [smem:$0x3FFB];
	_ =	sdelay $0x3  }
0x92: {  	_ =	strace s17  }
0x93: {  	s2 =	sld [smem:$0x3FFC];
	_ =	sdelay $0x3  }
0x94: {  	_ =	strace s2  }
0x95: {  	s2 =	sld [smem:$0x3FFD];
	_ =	sdelay $0x3  }
0x96: {  	_ =	strace s2  }
0x97: {  	_ =	strace $0x8FFFFFFF  }
0x98: {  	s18 =	sld [smem:$0x3FDB];
	_ =	sdelay $0x1  }
0x99: {  	s19 =	simm.s32 $_scs_section_size  }
0x9a: {  	s4 =	simm.s32 $_size__tile_overlayer_lowered;
	s5 =	simm.s32 $_tile_overlayer_lowered  }
0x9b: {  	s22 =	simm.s32 $0x1BFF;
	s21 =	sshll.u32 s5, $0x1;
	s2 =	sadd.s32 s19, s18  }
0x9c: {  	s6 =	simm.s32 $0x0;
	s20 =	sshll.u32 s4, $0x1;
	s4 =	sadd.s32 s21, s2  }
0x9d: {  	[timem:s6], [sflag:s22] =	dma.local [hbm:s4], s20  }
0x9e: {  	_ =	swait.ge [sflag:s22], s20  }
0x9f: {  	s3 =	ssub.s32 $0x0, s20;
	[sflag:s22] =	ssyncset.done $0x0  }
0xa0: {  	[sflag:s22] =	ssyncadd.s32 s3;
	_ =	sdelay $0x1  }
0xa1: {  	s23 =	simm.s32 $0x1B8B  }
0xa2: {  	_ =	swait.ge [sflag:s23], $0x1  }
0xa3: {  	[sflag:s23] =	ssyncset.done $0x0  }
0xa4: {  	s25 =	simm.s32 $0x1B8E;
	s24 =	sld [smem:$0x3FFE];
	[sflag:s23] =	ssyncadd.s32 $0xFFFFFFFF  }
0xa5: {  	s26 =	simm.s32 $execute0_lowered;
	[smem:$0x3FD2] =	sst s25  }
0xa6: {  	s4 =	sshll.u32 s26, $0x1;
	_ =	strace $0x80000049;
	[dreg:$0x1] =	wrdreg $0xFFFFFFFF  }
0xa7: {  	s28 =	simm.s32 $_size_execute0_lowered;
	s2 =	sadd.s32 s2, s4;
	[dreg:$0x0] =	wrdreg $0x0  }
0xa8: {  	s4 =	sshll.u32 s28, $0x1;
	[dreg:$0x2] =	wrdreg s2  }
0xa9: {  	[dreg:$0x3] =	wrdreg s4  }
0xaa: {  	[dreg:$0x4] =	wrdreg $0xC0  }
0xab: {  	_ =	task [dreg:s6], $0x5FFFF  }
0xac: {  	[dreg:$0x1] =	wrdreg $0xFFFFFFFF  }
0xad: {  	[dreg:$0x0] =	wrdreg $0x60  }
0xae: {  	[dreg:$0x2] =	wrdreg s24  }
0xaf: {  	[dreg:$0x3] =	wrdreg $0x9  }
0xb0: {  	_ =	task.clear_ibuf [dreg:s6], $0x4FFFF;
	_ =	strace $0x90000049  }
0xb1: {  	s29 =	simm.s32 $0x9;
	_ =	strace $0x8000004B  }
0xb2: {  	_ =	swait.ge [sflag:s29], $0x1  }
0xb3: {  	[sflag:s29] =	ssyncadd.s32 $0xFFFFFFFF  }
0xb4: {  	_ =	strace $0x9000004B  }
0xb5: {  	_ =	sfence  }
0xb6: {  	s30 =	sld [smem:$0x0];
	_ =	sdelay $0x2  }
0xb7: {  	s31 =	sshll.u32 s1, $0xD;
	s1 =	sshrl.u32 s1, $0x2  }
0xb8: {  	s3 =	sand.u32 $0x4000, s31;
	s1 =	sadd.s32 s1, s30  }
0xb9: {  	s0 =	sor.u32 s3, s0;
	s1 =	sshll.u32 s1, $0x11  }
0xba: {  	s0 =	sor.u32 s1, s0  }
0xbb: {  	s0 =	sadd.s32 $0x8F2B, s0  }
0xbc: {  	[sflag:s0] =	ssyncadd.remote.s32 $0x1  }
0xbd: {  	_ =	sfence.sel $0xFFFF  }
0xbe: {  	[dreg:$0x0] =	wrdreg $0xFFFFFFFF;
	(pc) =	sbr.abs _section_cstart, $3  }
0xbf: {  	[dreg:$0x1] =	wrdreg $0xFFFFFFFF  }
0xc0: {  	_ =	task.clear_ibuf [dreg:s6], $0x2FFFF;
	_ =	strace $0x9FFFFFFF  }
0xc1: {  	(tm) =	ssettm $0x7FFFFFFF  }
tec
execute0_lowered:
.L_overlay_start_1:
0x0: {  	(tag) =	ssettag $0x1  }
0x1: {  	s0 =	rddreg [dreg:$0x0]  }
0x2: {  	s2 =	simm.s32 $0x0;
	s1 =	srdreg.scid;
	s3 =	stileid.u32  }
0x3: {  	s28 =	simm.s32 $0x1;
	s29 =	simm.s32 $0x3;
	s1 =	sand.u32 $0x1, s1  }
0x4: {  	s30 =	simm.s32 $0x2D00;
	s4 =	sshrl.u32 s3, $0x3;
	s5 =	smul.u32 $0x13C000, s1  }
0x5: {  	[smem:$0x7FF] =	sst s2;
	s7 =	sand.u32 $0x7, s3;
	s8 =	smul.u32 $0x9E000, s4  }
0x6: {  	s6 =	sadd.s32 $0x18D0800, s0;
	s9 =	smul.u32 $0x13C00, s7;
	s10 =	sshll.u32 s1, $0x1  }
0x7: {  	s7 =	smul.u32 $0x271000, s7;
	s1 =	ssub.s32 $0x2, s1;
	s4 =	sor.u32 s4, s10  }
0x8: {  	s3 =	sadd.s32 $0xE800, s0;
	s26 =	sshrl.u32 s1, $0x1;
	s25 =	smul.u32 $0x9C400, s4  }
0x9: {  	s5 =	sadd.s32 s5, s8;
	s4 =	smul.u32 $0x13880, s4;
	s1 =	ssub.s32 s1, s26  }
0xa: {  	_ =	strace $0x8000004A;
	s5 =	sadd.s32 s9, s5;
	s22 =	smax.u32 s1, $0x1  }
0xb: {  	s5 =	sshrl.u32 s5, $0x3;
	s10 =	sadd.s32 s7, s25;
	s11 =	sshrl.u32 s4, $0x3  }
0xc: {  	[dreg:$0xc] =	wrdreg s22;
	s12 =	sshrl.u32 s10, $0x3;
	s13 =	sadd.s32 s3, s11  }
0xd: {  	s0 =	sadd.s32 s5, s0;
	s14 =	sadd.s32 s6, s12;
	[dreg:$0x2] =	wrdreg s13  }
0xe: {  	s31 =	simm.s32 $0x5480;
	s15 =	sadd.s32 $0x18600, s0;
	[dreg:$0x3] =	wrdreg s14  }
0xf: {  	s1 =	simm.s32 $0xA380;
	s16 =	sadd.s32 $0x18610, s0;
	[dreg:$0x4] =	wrdreg s15  }
0x10: {  	s9 =	simm.s32 $0xF280;
	s17 =	sadd.s32 $0x18620, s0;
	[dreg:$0x5] =	wrdreg s16  }
0x11: {  	s7 =	sshrl.u32 s7, $0x3;
	s18 =	sadd.s32 $0x18630, s0;
	[dreg:$0x6] =	wrdreg s17  }
0x12: {  	s8 =	sadd.s32 $0x500, s4;
	s19 =	sadd.s32 $0x18640, s0;
	[dreg:$0x7] =	wrdreg s18  }
0x13: {  	s22 =	simm.s32 $0x100;
	s20 =	sadd.s32 $0x18650, s0;
	[dreg:$0x8] =	wrdreg s19  }
0x14: {  	s7 =	sadd.s32 s6, s7;
	s21 =	sadd.s32 $0x18660, s0;
	[dreg:$0x9] =	wrdreg s20  }
0x15: {  	s10 =	simm.s32 $0x11A00;
	s0 =	sadd.s32 $0x18670, s0;
	[dreg:$0xa] =	wrdreg s21  }
0x16: {  	s11 =	simm.s32 $0x14180;
	s23 =	sadd.s32 $0x10, s13;
	[dreg:$0xb] =	wrdreg s0  }
0x17: {  	s24 =	sadd.s32 $0x20, s13;
	s25 =	sadd.s32 $0x30, s13;
	[dreg:$0xd] =	wrdreg s23  }
.Ltmp0:
0x18: {  	s26 =	sadd.s32 $0x40, s13;
	[dreg:$0xe] =	wrdreg s24;
	(pc) =	sbr.rel .LBB2_1-.Ltmp0, $4  }
0x19: {  	s6 =	simm.s32 $0xCB00;
	s12 =	simm.s32 $0x2;
	[dreg:$0xf] =	wrdreg s25  }
0x1a: {  	s13 =	simm.s32 $0x4;
	[dreg:$0x10] =	wrdreg s26;
	s23 =	simm.s32 $0x200  }
0x1b: {  	s24 =	simm.s32 $0x300;
	s25 =	simm.s32 $0x400;
	s26 =	simm.s32 $0x500  }
0x1c: {  	v0 =	vimm.f32 $0.0e+00;
	s0 =	simm.s32 $0x7C00;
	s14 =	simm.s32 $0x80;
	s15 =	simm.s32 $0x5  }
.LBB2_11:
0x1d: {  	s5 =	rddreg [dreg:$0x4]  }
0x1e: {  	[hbm4b:s5+s14] =	stream.strided.scatter [tilespmem:s30], [sflag:$0x5], $0x2780, s25, s14, $0x38;
	[tilespmem:$0x16900] =	vst v63  }
0x1f: {  	_ =	swait.ge [sflag:s15], $0x2780  }
0x20: {  	[sflag:s15] =	ssyncset.done $0x0  }
0x21: {  	s20 =	rddreg [dreg:$0x5];
	[sflag:s15] =	ssyncadd.s32 $0xFFFFD880  }
0x22: {  	[hbm4b:s20+s14] =	stream.strided.scatter [tilespmem:s31], [sflag:$0x5], $0x2780, s25, s14, $0x38;
	[tilespmem:$0x16900] =	vst v63  }
0x23: {  	_ =	swait.ge [sflag:s15], $0x2780  }
0x24: {  	[sflag:s15] =	ssyncset.done $0x0  }
0x25: {  	s21 =	rddreg [dreg:$0x6];
	[sflag:s15] =	ssyncadd.s32 $0xFFFFD880  }
0x26: {  	[hbm4b:s21+s14] =	stream.strided.scatter [tilespmem:s0], [sflag:$0x5], $0x2780, s25, s14, $0x38;
	[tilespmem:$0x16900] =	vst v63  }
0x27: {  	_ =	swait.ge [sflag:s15], $0x2780  }
0x28: {  	[sflag:s15] =	ssyncset.done $0x0  }
0x29: {  	s16 =	rddreg [dreg:$0x7];
	[sflag:s15] =	ssyncadd.s32 $0xFFFFD880  }
0x2a: {  	[hbm4b:s16+s14] =	stream.strided.scatter [tilespmem:s1], [sflag:$0x5], $0x2780, s25, s14, $0x38;
	[tilespmem:$0x16900] =	vst v63  }
0x2b: {  	_ =	swait.ge [sflag:s15], $0x2780  }
0x2c: {  	[sflag:s15] =	ssyncset.done $0x0  }
0x2d: {  	s17 =	rddreg [dreg:$0x8];
	[sflag:s15] =	ssyncadd.s32 $0xFFFFD880  }
0x2e: {  	[hbm4b:s17+s14] =	stream.strided.scatter [tilespmem:s6], [sflag:$0x5], $0x2780, s25, s14, $0x38;
	[tilespmem:$0x16900] =	vst v63  }
0x2f: {  	_ =	swait.ge [sflag:s15], $0x2780  }
0x30: {  	[sflag:s15] =	ssyncset.done $0x0  }
0x31: {  	s18 =	rddreg [dreg:$0x9];
	[sflag:s15] =	ssyncadd.s32 $0xFFFFD880  }
0x32: {  	[hbm4b:s18+s14] =	stream.strided.scatter [tilespmem:s9], [sflag:$0x5], $0x2780, s25, s14, $0x38;
	[tilespmem:$0x16900] =	vst v63  }
0x33: {  	_ =	swait.ge [sflag:s15], $0x2780  }
0x34: {  	[sflag:s15] =	ssyncset.done $0x0  }
0x35: {  	s19 =	rddreg [dreg:$0xa];
	[sflag:s15] =	ssyncadd.s32 $0xFFFFD880  }
0x36: {  	[hbm4b:s19+s14] =	stream.strided.scatter [tilespmem:s10], [sflag:$0x5], $0x2780, s25, s14, $0x38;
	[tilespmem:$0x16900] =	vst v63  }
0x37: {  	_ =	swait.ge [sflag:s15], $0x2780  }
0x38: {  	[sflag:s15] =	ssyncset.done $0x0  }
0x39: {  	s20 =	rddreg [dreg:$0xb];
	[sflag:s15] =	ssyncadd.s32 $0xFFFFD880  }
0x3a: {  	[hbm4b:s20+s14] =	stream.strided.scatter [tilespmem:s11], [sflag:$0x5], $0x2780, s25, s14, $0x38;
	[tilespmem:$0x16900] =	vst v63  }
0x3b: {  	_ =	swait.ge [sflag:s15], $0x2780  }
0x3c: {  	s2 =	sadd.s32 $0x1, s2;
	s21 =	rddreg [dreg:$0xc]  }
0x3d: {  	p0 =	sne.s32 s2, s21  }
.Ltmp1:
0x3e: {  	_ = 	snop;
	(pc) =	sbr.rel @!p0 .LBB2_12-.Ltmp1, $3  }
0x3f: {  	_ =	sdelay $0x1  }
0x40: {  	[sflag:s15] =	ssyncset.done $0x0  }
0x41: {  	[sflag:s15] =	ssyncadd.s32 $0xFFFFD880  }
.LBB2_1:
0x42: {  	s16 =	simm.s32 $0x0;
	s17 =	simm.s32 $0x40  }
.LBB2_2:
0x43: {  	p0 =	sne.s32 s17, $0x9C00;
	[tilespmem:s16+$0x14180] =	vst v0  }
0x44: {  	[tilespmem:s16+$0x2D00] =	vst v0  }
0x45: {  	[tilespmem:s16+$0x5480] =	vst v0  }
.Ltmp2:
0x46: {  	[tilespmem:s16+$0x7C00] =	vst v0;
	(pc) =	sbr.rel @p0 .LBB2_2-.Ltmp2, $4  }
0x47: {  	[tilespmem:s16+$0xA380] =	vst v0  }
0x48: {  	[tilespmem:s16+$0xCB00] =	vst v0  }
0x49: {  	[tilespmem:s16+$0xF280] =	vst v0  }
0x4a: {  	[tilespmem:s16+$0x11A00] =	vst v0;
	s16 =	sshra.s32 s17, $0x2;
	s17 =	sadd.s32 $0x40, s17  }
0x4b: {  	[tilespmem:s16+$0x14180] =	vst v0  }
0x4c: {  	[tilespmem:s16+$0x2D00] =	vst v0  }
0x4d: {  	[tilespmem:s16+$0x5480] =	vst v0  }
0x4e: {  	[tilespmem:s16+$0x7C00] =	vst v0  }
0x4f: {  	[tilespmem:s16+$0xA380] =	vst v0  }
0x50: {  	[tilespmem:s16+$0xCB00] =	vst v0  }
0x51: {  	[tilespmem:s16+$0xF280] =	vst v0  }
0x52: {  	[tilespmem:s16+$0x11A00] =	vst v0;
	s16 =	simm.s32 $0x0;
	s5 =	rddreg [dreg:$0x2]  }
0x53: {  	[tilespmem:s16], [sflag:$0x1] =	stream.linear.gather [hbm4b:s5+s16], $0x80, $0x38;
	[tilespmem:$0x16900] =	vst v63  }
0x54: {  	s17 =	rddreg [dreg:$0xd]  }
0x55: {  	[tilespmem:s22], [sflag:$0x1] =	stream.linear.gather [hbm4b:s17+s16], $0x80, $0x38;
	[tilespmem:$0x16900] =	vst v63  }
0x56: {  	s18 =	rddreg [dreg:$0xe]  }
0x57: {  	[tilespmem:s23], [sflag:$0x1] =	stream.linear.gather [hbm4b:s18+s16], $0x80, $0x38;
	[tilespmem:$0x16900] =	vst v63  }
0x58: {  	s19 =	rddreg [dreg:$0xf]  }
0x59: {  	[tilespmem:s24], [sflag:$0x1] =	stream.linear.gather [hbm4b:s19+s16], $0x80, $0x38;
	[tilespmem:$0x16900] =	vst v63  }
.Ltmp3:
0x5a: {  	_ = 	snop;
	(pc) =	sbr.rel .LBB2_4-.Ltmp3, $4  }
0x5b: {  	s20 =	rddreg [dreg:$0x10]  }
0x5c: {  	[tilespmem:s25], [sflag:$0x1] =	stream.linear.gather [hbm4b:s20+s16], $0x80, $0x38;
	[tilespmem:$0x16900] =	vst v63  }
0x5d: {  	s21 =	rddreg [dreg:$0x3];
	s17 =	simm.s32 $0x0  }
0x5e: {  	[tilespmem:s26], [sflag:$0x3] =	stream.linear.gather [hbm4b:s21+s16], $0x1400, $0x38;
	[tilespmem:$0x16900] =	vst v63  }
.LBB2_10:
0x5f: {  	s17 =	sadd.s32 $0x1, s17  }
0x60: {  	p0 =	sne.s32 s17, $0x3F  }
.Ltmp4:
0x61: {  	_ = 	snop;
	(pc) =	sbr.rel @!p0 .LBB2_11-.Ltmp4, $1  }
0x62: {  	_ =	sdelay $0x3  }
.LBB2_4:
0x63: {  	s18 =	sshllo.u32 s17, $0x1  }
0x64: {  	p0 =	sgt.u32 s18, $0x7C  }
0x65: {  	s18 =	smul.u32 @!p0 $0x280, s18;
	_ =	sdelay $0x1  }
0x66: {  	s18 =	sadd.s32 @!p0 s4, s18  }
0x67: {  	s19 =	sshrl.u32 @!p0 s18, $0x3  }
0x68: {  	s20 =	simm.s32 @!p0 $0x0;
	s21 =	simm.s32 @!p0 $0x80;
	s19 =	sadd.s32 @!p0 s3, s19  }
0x69: {  	[tilespmem:s21], [sflag:$0x2] =	stream.linear.gather @!p0 [hbm4b:s19+s20], $0x80, $0x38;
	[tilespmem:$0x16900] =	vst v63  }
0x6a: {  	s5 =	simm.s32 @!p0 $0x180;
	s21 =	sadd.s32 @!p0 $0x10, s19  }
0x6b: {  	[tilespmem:s5], [sflag:$0x2] =	stream.linear.gather @!p0 [hbm4b:s21+s20], $0x80, $0x38;
	[tilespmem:$0x16900] =	vst v63  }
0x6c: {  	s5 =	sadd.s32 @!p0 $0x20, s19;
	s21 =	simm.s32 @!p0 $0x280  }
0x6d: {  	[tilespmem:s21], [sflag:$0x2] =	stream.linear.gather @!p0 [hbm4b:s5+s20], $0x80, $0x38;
	[tilespmem:$0x16900] =	vst v63  }
0x6e: {  	s5 =	sadd.s32 @!p0 $0x30, s19;
	s21 =	simm.s32 @!p0 $0x380  }
0x6f: {  	[tilespmem:s21], [sflag:$0x2] =	stream.linear.gather @!p0 [hbm4b:s5+s20], $0x80, $0x38;
	[tilespmem:$0x16900] =	vst v63  }
0x70: {  	s5 =	sadd.s32 @!p0 $0x40, s19;
	s19 =	simm.s32 @!p0 $0x480  }
0x71: {  	[tilespmem:s19], [sflag:$0x2] =	stream.linear.gather @!p0 [hbm4b:s5+s20], $0x80, $0x38;
	[tilespmem:$0x16900] =	vst v63  }
0x72: {  	s5 =	sadd.s32 @!p0 s18, s7;
	s18 =	simm.s32 @!p0 $0x1900  }
0x73: {  	[tilespmem:s18], [sflag:$0x4] =	stream.linear.gather @!p0 [hbm4b:s5+s20], $0x1400, $0x38;
	[tilespmem:$0x16900] =	vst v63  }
0x74: {  	_ =	swait.ge [sflag:s28], $0x280  }
0x75: {  	[sflag:s28] =	ssyncset.done $0x0  }
0x76: {  	[sflag:s28] =	ssyncadd.s32 $0xFFFFFD80  }
0x77: {  	s18 =	sand.u32 $0x1C00, s16;
	_ =	swait.ge [sflag:s29], $0x1400  }
0x78: {  	s21 =	sand.u32 $0x70, s16;
	s20 =	sshrl.u32 s18, $0x2;
	[sflag:s29] =	ssyncset.done $0x0  }
0x79: {  	s19 =	sor.u32 s21, s20;
	[sflag:s29] =	ssyncadd.s32 $0xFFFFEC00  }
0x7a: {  	v1 =	vld [tilespmem:s19+$0x0];
	_ =	sdelay $0x1  }
0x7b: {  	s5 =	sor.u32 s21, s18  }
0x7c: {  	v2 =	vld [tilespmem:s5+$0x500];
	_ =	sdelay $0x4  }
0x7d: {  	[tilespmem:v1+s30+$0x0] =	vst.idx.add.f32.msk $0xffff, v2  }
0x7e: {  	v2 =	vld [tilespmem:s5+$0x580];
	_ =	sdelay $0x4  }
0x7f: {  	[tilespmem:v1+s31+$0x0] =	vst.idx.add.f32.msk $0xffff, v2  }
0x80: {  	v2 =	vld [tilespmem:s5+$0x600];
	_ =	sdelay $0x4  }
0x81: {  	[tilespmem:v1+s0+$0x0] =	vst.idx.add.f32.msk $0xffff, v2  }
0x82: {  	v2 =	vld [tilespmem:s5+$0x680];
	_ =	sdelay $0x4  }
0x83: {  	[tilespmem:v1+s1+$0x0] =	vst.idx.add.f32.msk $0xffff, v2  }
0x84: {  	v2 =	vld [tilespmem:s5+$0x700];
	_ =	sdelay $0x4  }
0x85: {  	[tilespmem:v1+s6+$0x0] =	vst.idx.add.f32.msk $0xffff, v2  }
0x86: {  	v2 =	vld [tilespmem:s5+$0x780];
	_ =	sdelay $0x4  }
0x87: {  	[tilespmem:v1+s9+$0x0] =	vst.idx.add.f32.msk $0xffff, v2  }
0x88: {  	v2 =	vld [tilespmem:s5+$0x800];
	_ =	sdelay $0x4  }
0x89: {  	[tilespmem:v1+s10+$0x0] =	vst.idx.add.f32.msk $0xffff, v2  }
0x8a: {  	v2 =	vld [tilespmem:s5+$0x880];
	_ =	sdelay $0x1  }
0x8b: {  	s21 =	simm.s32 $0x80  }
0x8c: {  	s18 =	simm.s32 $0x10;
	s20 =	sand.u32 $0x1C00, s21;
	s19 =	simm.s32 $0x100  }
.LBB2_5:
0x8d: {  	p1 =	sne.s32 s19, $0x1380;
	s5 =	sand.u32 $0x70, s18;
	s21 =	sshrl.u32 s20, $0x2  }
0x8e: {  	s21 =	sor.u32 s5, s21;
	[tilespmem:v1+s11+$0x0] =	vst.idx.add.f32.msk $0xffff, v2  }
0x8f: {  	s5 =	sor.u32 s5, s20;
	v1 =	vld [tilespmem:s21+$0x0]  }
0x90: {  	v2 =	vld [tilespmem:s5+$0x500];
	_ =	sdelay $0x6  }
0x91: {  	[tilespmem:v1+s30+$0x0] =	vst.idx.add.f32.msk $0xffff, v2  }
0x92: {  	v2 =	vld [tilespmem:s5+$0x580];
	_ =	sdelay $0x4  }
0x93: {  	[tilespmem:v1+s31+$0x0] =	vst.idx.add.f32.msk $0xffff, v2  }
0x94: {  	v2 =	vld [tilespmem:s5+$0x600];
	_ =	sdelay $0x4  }
0x95: {  	[tilespmem:v1+s0+$0x0] =	vst.idx.add.f32.msk $0xffff, v2  }
0x96: {  	v2 =	vld [tilespmem:s5+$0x680];
	_ =	sdelay $0x4  }
0x97: {  	[tilespmem:v1+s1+$0x0] =	vst.idx.add.f32.msk $0xffff, v2  }
0x98: {  	v2 =	vld [tilespmem:s5+$0x700];
	_ =	sdelay $0x4  }
0x99: {  	[tilespmem:v1+s6+$0x0] =	vst.idx.add.f32.msk $0xffff, v2  }
0x9a: {  	v2 =	vld [tilespmem:s5+$0x780];
	_ =	sdelay $0x4  }
0x9b: {  	[tilespmem:v1+s9+$0x0] =	vst.idx.add.f32.msk $0xffff, v2  }
0x9c: {  	v2 =	vld [tilespmem:s5+$0x800];
	_ =	sdelay $0x4  }
.Ltmp5:
0x9d: {  	[tilespmem:v1+s10+$0x0] =	vst.idx.add.f32.msk $0xffff, v2;
	(pc) =	sbr.rel @p1 .LBB2_5-.Ltmp5, $2  }
0x9e: {  	v2 =	vld [tilespmem:s5+$0x880];
	_ =	sdelay $0x2  }
0x9f: {  	s18 =	sadd.s32 $0x10, s18;
	s20 =	sand.u32 $0x1C00, s19;
	s19 =	sadd.s32 $0x80, s19  }
0xa0: {  	_ =	sdelay $0x2  }
0xa1: {  	s5 =	sand.u32 $0x70, s18;
	s21 =	sshrl.u32 s20, $0x2  }
0xa2: {  	s18 =	sor.u32 s5, s21;
	[tilespmem:v1+s11+$0x0] =	vst.idx.add.f32.msk $0xffff, v2  }
0xa3: {  	v1 =	vld [tilespmem:s18+$0x0];
	_ =	sdelay $0x1  }
0xa4: {  	s5 =	sor.u32 s5, s20  }
0xa5: {  	v2 =	vld [tilespmem:s5+$0x500];
	_ =	sdelay $0x4  }
0xa6: {  	[tilespmem:v1+s30+$0x0] =	vst.idx.add.f32.msk $0xffff, v2  }
0xa7: {  	v2 =	vld [tilespmem:s5+$0x580];
	_ =	sdelay $0x4  }
0xa8: {  	[tilespmem:v1+s31+$0x0] =	vst.idx.add.f32.msk $0xffff, v2  }
0xa9: {  	v2 =	vld [tilespmem:s5+$0x600];
	_ =	sdelay $0x4  }
0xaa: {  	[tilespmem:v1+s0+$0x0] =	vst.idx.add.f32.msk $0xffff, v2  }
0xab: {  	v2 =	vld [tilespmem:s5+$0x680];
	_ =	sdelay $0x4  }
0xac: {  	[tilespmem:v1+s1+$0x0] =	vst.idx.add.f32.msk $0xffff, v2  }
0xad: {  	v2 =	vld [tilespmem:s5+$0x700];
	_ =	sdelay $0x4  }
0xae: {  	[tilespmem:v1+s6+$0x0] =	vst.idx.add.f32.msk $0xffff, v2  }
0xaf: {  	v2 =	vld [tilespmem:s5+$0x780];
	_ =	sdelay $0x4  }
0xb0: {  	[tilespmem:v1+s9+$0x0] =	vst.idx.add.f32.msk $0xffff, v2  }
0xb1: {  	v2 =	vld [tilespmem:s5+$0x800];
	_ =	sdelay $0x4  }
0xb2: {  	[tilespmem:v1+s10+$0x0] =	vst.idx.add.f32.msk $0xffff, v2  }
0xb3: {  	v2 =	vld [tilespmem:s5+$0x880]  }
.Ltmp6:
0xb4: {  	_ = 	snop;
	(pc) =	sbr.rel @p0 .LBB2_10-.Ltmp6, $2  }
0xb5: {  	_ =	sdelay $0x2  }
0xb6: {  	[tilespmem:v1+s11+$0x0] =	vst.idx.add.f32.msk $0xffff, v2  }
0xb7: {  	s5 =	smul.u32 $0x500, s17;
	_ =	sdelay $0x1  }
0xb8: {  	s5 =	sadd.s32 s5, s8  }
0xb9: {  	s18 =	sshrl.u32 s5, $0x3  }
0xba: {  	s19 =	simm.s32 $0x0;
	s18 =	sadd.s32 s3, s18  }
0xbb: {  	[tilespmem:s19], [sflag:$0x1] =	stream.linear.gather [hbm4b:s18+s19], $0x80, $0x38;
	[tilespmem:$0x16900] =	vst v63  }
0xbc: {  	s20 =	sadd.s32 $0x10, s18  }
0xbd: {  	[tilespmem:s22], [sflag:$0x1] =	stream.linear.gather [hbm4b:s20+s19], $0x80, $0x38;
	[tilespmem:$0x16900] =	vst v63  }
0xbe: {  	s21 =	sadd.s32 $0x20, s18  }
0xbf: {  	[tilespmem:s23], [sflag:$0x1] =	stream.linear.gather [hbm4b:s21+s19], $0x80, $0x38;
	[tilespmem:$0x16900] =	vst v63  }
0xc0: {  	s21 =	sadd.s32 $0x30, s18  }
0xc1: {  	[tilespmem:s24], [sflag:$0x1] =	stream.linear.gather [hbm4b:s21+s19], $0x80, $0x38;
	[tilespmem:$0x16900] =	vst v63  }
0xc2: {  	s18 =	sadd.s32 $0x40, s18  }
0xc3: {  	[tilespmem:s25], [sflag:$0x1] =	stream.linear.gather [hbm4b:s18+s19], $0x80, $0x38;
	[tilespmem:$0x16900] =	vst v63  }
0xc4: {  	s5 =	sadd.s32 s5, s7  }
0xc5: {  	[tilespmem:s26], [sflag:$0x3] =	stream.linear.gather [hbm4b:s5+s19], $0x1400, $0x38;
	[tilespmem:$0x16900] =	vst v63  }
0xc6: {  	_ =	swait.ge [sflag:s12], $0x280  }
0xc7: {  	[sflag:s12] =	ssyncset.done $0x0  }
0xc8: {  	[sflag:s12] =	ssyncadd.s32 $0xFFFFFD80  }
0xc9: {  	s18 =	sand.u32 $0x1C00, s19;
	_ =	swait.ge [sflag:s13], $0x1400  }
0xca: {  	s21 =	sand.u32 $0x70, s19;
	s20 =	sshrl.u32 s18, $0x2;
	[sflag:s13] =	ssyncset.done $0x0  }
0xcb: {  	s19 =	sor.u32 s21, s20;
	[sflag:s13] =	ssyncadd.s32 $0xFFFFEC00  }
0xcc: {  	v1 =	vld [tilespmem:s19+$0x80];
	_ =	sdelay $0x1  }
0xcd: {  	s5 =	sor.u32 s21, s18  }
0xce: {  	v2 =	vld [tilespmem:s5+$0x1900];
	_ =	sdelay $0x4  }
0xcf: {  	[tilespmem:v1+s30+$0x0] =	vst.idx.add.f32.msk $0xffff, v2  }
0xd0: {  	v2 =	vld [tilespmem:s5+$0x1980];
	_ =	sdelay $0x4  }
0xd1: {  	[tilespmem:v1+s31+$0x0] =	vst.idx.add.f32.msk $0xffff, v2  }
0xd2: {  	v2 =	vld [tilespmem:s5+$0x1A00];
	_ =	sdelay $0x4  }
0xd3: {  	[tilespmem:v1+s0+$0x0] =	vst.idx.add.f32.msk $0xffff, v2  }
0xd4: {  	v2 =	vld [tilespmem:s5+$0x1A80];
	_ =	sdelay $0x4  }
0xd5: {  	[tilespmem:v1+s1+$0x0] =	vst.idx.add.f32.msk $0xffff, v2  }
0xd6: {  	v2 =	vld [tilespmem:s5+$0x1B00];
	_ =	sdelay $0x4  }
0xd7: {  	[tilespmem:v1+s6+$0x0] =	vst.idx.add.f32.msk $0xffff, v2  }
0xd8: {  	v2 =	vld [tilespmem:s5+$0x1B80];
	_ =	sdelay $0x4  }
0xd9: {  	[tilespmem:v1+s9+$0x0] =	vst.idx.add.f32.msk $0xffff, v2  }
0xda: {  	v2 =	vld [tilespmem:s5+$0x1C00];
	_ =	sdelay $0x4  }
0xdb: {  	[tilespmem:v1+s10+$0x0] =	vst.idx.add.f32.msk $0xffff, v2  }
0xdc: {  	v2 =	vld [tilespmem:s5+$0x1C80];
	_ =	sdelay $0x1  }
0xdd: {  	s21 =	simm.s32 $0x80  }
0xde: {  	s18 =	simm.s32 $0x10;
	s20 =	sand.u32 $0x1C00, s21;
	s19 =	simm.s32 $0x100  }
.LBB2_8:
0xdf: {  	p0 =	sne.s32 s19, $0x1380;
	s5 =	sand.u32 $0x70, s18;
	s21 =	sshrl.u32 s20, $0x2  }
0xe0: {  	s21 =	sor.u32 s5, s21;
	[tilespmem:v1+s11+$0x0] =	vst.idx.add.f32.msk $0xffff, v2  }
0xe1: {  	s5 =	sor.u32 s5, s20;
	v1 =	vld [tilespmem:s21+$0x80]  }
0xe2: {  	v2 =	vld [tilespmem:s5+$0x1900];
	_ =	sdelay $0x6  }
0xe3: {  	[tilespmem:v1+s30+$0x0] =	vst.idx.add.f32.msk $0xffff, v2  }
0xe4: {  	v2 =	vld [tilespmem:s5+$0x1980];
	_ =	sdelay $0x4  }
0xe5: {  	[tilespmem:v1+s31+$0x0] =	vst.idx.add.f32.msk $0xffff, v2  }
0xe6: {  	v2 =	vld [tilespmem:s5+$0x1A00];
	_ =	sdelay $0x4  }
0xe7: {  	[tilespmem:v1+s0+$0x0] =	vst.idx.add.f32.msk $0xffff, v2  }
0xe8: {  	v2 =	vld [tilespmem:s5+$0x1A80];
	_ =	sdelay $0x4  }
0xe9: {  	[tilespmem:v1+s1+$0x0] =	vst.idx.add.f32.msk $0xffff, v2  }
0xea: {  	v2 =	vld [tilespmem:s5+$0x1B00];
	_ =	sdelay $0x4  }
0xeb: {  	[tilespmem:v1+s6+$0x0] =	vst.idx.add.f32.msk $0xffff, v2  }
0xec: {  	v2 =	vld [tilespmem:s5+$0x1B80];
	_ =	sdelay $0x4  }
0xed: {  	[tilespmem:v1+s9+$0x0] =	vst.idx.add.f32.msk $0xffff, v2  }
0xee: {  	v2 =	vld [tilespmem:s5+$0x1C00];
	_ =	sdelay $0x4  }
.Ltmp7:
0xef: {  	[tilespmem:v1+s10+$0x0] =	vst.idx.add.f32.msk $0xffff, v2;
	(pc) =	sbr.rel @p0 .LBB2_8-.Ltmp7, $2  }
0xf0: {  	v2 =	vld [tilespmem:s5+$0x1C80];
	_ =	sdelay $0x2  }
0xf1: {  	s18 =	sadd.s32 $0x10, s18;
	s20 =	sand.u32 $0x1C00, s19;
	s19 =	sadd.s32 $0x80, s19  }
0xf2: {  	_ =	sdelay $0x2  }
0xf3: {  	s5 =	sand.u32 $0x70, s18;
	s21 =	sshrl.u32 s20, $0x2  }
0xf4: {  	s18 =	sor.u32 s5, s21;
	[tilespmem:v1+s11+$0x0] =	vst.idx.add.f32.msk $0xffff, v2  }
0xf5: {  	v1 =	vld [tilespmem:s18+$0x80];
	_ =	sdelay $0x1  }
0xf6: {  	s5 =	sor.u32 s5, s20  }
0xf7: {  	v2 =	vld [tilespmem:s5+$0x1900];
	_ =	sdelay $0x4  }
0xf8: {  	[tilespmem:v1+s30+$0x0] =	vst.idx.add.f32.msk $0xffff, v2  }
0xf9: {  	v2 =	vld [tilespmem:s5+$0x1980];
	_ =	sdelay $0x4  }
0xfa: {  	[tilespmem:v1+s31+$0x0] =	vst.idx.add.f32.msk $0xffff, v2  }
0xfb: {  	v2 =	vld [tilespmem:s5+$0x1A00];
	_ =	sdelay $0x4  }
0xfc: {  	[tilespmem:v1+s0+$0x0] =	vst.idx.add.f32.msk $0xffff, v2  }
0xfd: {  	v2 =	vld [tilespmem:s5+$0x1A80];
	_ =	sdelay $0x4  }
0xfe: {  	[tilespmem:v1+s1+$0x0] =	vst.idx.add.f32.msk $0xffff, v2  }
0xff: {  	v2 =	vld [tilespmem:s5+$0x1B00];
	_ =	sdelay $0x4  }
0x100: {  	[tilespmem:v1+s6+$0x0] =	vst.idx.add.f32.msk $0xffff, v2  }
0x101: {  	v2 =	vld [tilespmem:s5+$0x1B80];
	_ =	sdelay $0x4  }
0x102: {  	[tilespmem:v1+s9+$0x0] =	vst.idx.add.f32.msk $0xffff, v2  }
0x103: {  	v2 =	vld [tilespmem:s5+$0x1C00];
	_ =	sdelay $0x4  }
0x104: {  	[tilespmem:v1+s10+$0x0] =	vst.idx.add.f32.msk $0xffff, v2  }
0x105: {  	v2 =	vld [tilespmem:s5+$0x1C80]  }
.Ltmp8:
0x106: {  	_ = 	snop;
	(pc) =	sbr.rel .LBB2_10-.Ltmp8, $2  }
0x107: {  	_ =	sdelay $0x2  }
0x108: {  	[tilespmem:v1+s11+$0x0] =	vst.idx.add.f32.msk $0xffff, v2  }
.LBB2_12:
0x109: {  	_ =	sfence.sel $0x180000  }
0x10a: {  	[bflag:$0x0] =	sbarrier.arrive $0xFFFF  }
0x10b: {  	_ =	strace $0x9000004A  }
0x10c: {  	s0 =	stileid.u32;
	[bflag:$0x2] =	sbarrier.arrive $0xFFFF  }
0x10d: {  	p0 =	sne.s32 s0, $0x0;
	s0 =	rddreg [dreg:$0x1]  }
0x10e: {  	s0 =	sadd.s32 @!p0 $0x100000, s0  }
0x10f: {  	[sflag:s0] =	ssyncadd.tile.s32 @!p0 $0x1;
	_ =	shalt  }
.Lfunc_end2:
_tile_overlayer_lowered:
.L_overlay_start_2:
0x110: {  	(tag) =	ssettag $0x2  }
0x111: {  	s0 =	rddreg [dreg:$0x0];
	s2 =	stileid.u32  }
0x112: {  	s1 =	rddreg [dreg:$0x1];
	p0 =	sne.s32 s2, $0x0  }
0x113: {  	s3 =	rddreg [dreg:$0x2];
	[bflag:$0x3] =	sbarrier.arrive $0xFFFF;
	s2 =	simm.s32 @!p0 $0x1C05  }
0x114: {  	[timem:s3], [sflag:s2] =	dma.local @!p0 [hbm:s0], s1  }
0x115: {  	s0 =	simm.s32 @!p0 $0x5  }
0x116: {  	_ =	swait.ge @!p0 [sflag:s0], s1  }
0x117: {  	s1 =	ssub.s32 @!p0 $0x0, s1;
	[sflag:s0] =	ssyncset.done @!p0 $0x0  }
0x118: {  	[sflag:s0] =	ssyncadd.s32 @!p0 s1  }
0x119: {  	[bflag:$0x3] =	sbarrier.arrive $0xFFFF  }
0x11a: {  	_ =	shalt  }

// kernel: kernel.7.cloned.1.call-start
scs
__scs_entry_jumppad:
0x0: {  	(pc) =	sbr.rel $0x88, $3  }
0x1: {  	(tag) =	ssettag $0x0;
	lr =	simm.s32 $0x1  }
0x2: {  	[smem:$0x3F8B] =	sst lr;
	_ =	strace $0xD0000000  }
0x3: {  	_ = 	snop  }
0x4: {  	_ = 	snop  }
0x5: {  	_ = 	snop  }
0x6: {  	_ = 	snop  }
0x7: {  	_ = 	snop  }
__scs_overlays_trampoline_lowered:
0x8: {  	[smem:$0x3F9A] =	sst s0  }
0x9: {  	[smem:$0x3F9B] =	sst s1  }
0xa: {  	[smem:$0x3F9C] =	sst s2  }
0xb: {  	[smem:$0x3F9D] =	sst s3  }
0xc: {  	[smem:$0x3F9E] =	sst s4  }
0xd: {  	[smem:$0x3F9F] =	sst s5  }
0xe: {  	[smem:$0x3FA0] =	sst s6  }
0xf: {  	[smem:$0x3FA1] =	sst s7  }
0x10: {  	[smem:$0x3FA2] =	sst s8  }
0x11: {  	[smem:$0x3FA3] =	sst s9;
	s0 =	simm.s32 @!p0 $0x0  }
0x12: {  	s1 =	sld [smem:$0x3F89];
	s0 =	simm.s32 @p0 $0x1  }
0x13: {  	[smem:$0x3FA4] =	sst s0;
	s0 =	simm.s32 @!p1 $0x0  }
0x14: {  	s2 =	sld [smem:$0x3F88];
	s0 =	simm.s32 @p1 $0x1  }
0x15: {  	[smem:$0x3FA5] =	sst s0;
	s0 =	simm.s32 @!p2 $0x0  }
0x16: {  	s3 =	sld [smem:$0x3FDB];
	s0 =	simm.s32 @p2 $0x1  }
0x17: {  	s4 =	simm.s32 $0x1BF5;
	[smem:$0x3FA7] =	sst s0  }
0x18: {  	s0 =	sld [smem:$0x3F8A];
	_ =	swait.ge [sflag:s4], $0x0  }
0x19: {  	s7 =	sld [smem:$0x3F8B]  }
0x1a: {  	s8 =	sadd.s32 $0xFFFFE003, lr  }
0x1b: {  	s9 =	sadd.s32 $0xFFFFFEF7, lr;
	s5 =	simm.s32 $0xFFFFFFFF;
	p2 =	slt.u32 s8, $0xFFFFF086  }
0x1c: {  	p1 =	slt.u32 s9, $0xF7A;
	s5 =	simm.s32 @!p2 $0x0  }
0x1d: {  	s5 =	simm.s32 @p1 $0x1;
	p0 =	seq.s32 s7, s2  }
0x1e: {  	s7 =	smul.u32 @!p0 $0xF7A, s2;
	p2 =	seq.s32 @!p0 s5, $0x0  }
0x1f: {  	s9 =	smul.u32 $0xF7A, s1;
	s8 =	simm.s32 @!p0 $0x1BF5;
	p2 =	por !p2, p0  }
0x20: {  	[sflag:s8] =	ssyncset.s32 @!p0 $0xFFFFF086;
	s6 =	sadd.s32 @!p0 s3, s7;
	s7 =	simm.s32 @!p0 $0x108  }
0x21: {  	s3 =	sadd.s32 s3, s9;
	s6 =	sadd.s32 @!p0 $0x88, s6;
	s7 =	simm.s32 @p2 $0x1082  }
0x22: {  	[simem:s7], [sflag:s8] =	dma.local @!p0 [hbm:s6], $0xF7A  }
0x23: {  	s9 =	sor.u32 $0xD0000000, s2;
	s6 =	simm.s32 $0x108;
	_ =	swait.ge @!p0 [sflag:s8], $0x0  }
0x24: {  	s3 =	sadd.s32 $0x88, s3;
	s6 =	simm.s32 @!p1 $0x1082;
	[sflag:s4] =	ssyncset.s32 $0xFFFFF086  }
0x25: {  	[simem:s6], [sflag:s4] =	dma.local [hbm:s3], $0xF7A  }
0x26: {  	[smem:$0x3F8B] =	sst s1;
	(tag) =	ssettag s2;
	_ =	strace s9  }
0x27: {  	s1 =	sld [smem:$0x3F9B]  }
0x28: {  	s2 =	sld [smem:$0x3F9C]  }
0x29: {  	s4 =	sld [smem:$0x3F9E]  }
0x2a: {  	p0 =	seq.s32 s5, $0x0;
	s5 =	sld [smem:$0x3F9F]  }
0x2b: {  	s6 =	sld [smem:$0x3FA0]  }
0x2c: {  	s7 =	sld [smem:$0x3FA1]  }
0x2d: {  	s3 =	simm.s32 $0x108;
	s8 =	sld [smem:$0x3FA2]  }
0x2e: {  	s3 =	simm.s32 @!p0 $0x1082;
	s9 =	sld [smem:$0x3FA3]  }
0x2f: {  	lr =	sadd.s32 s0, s3;
	s0 =	sld [smem:$0x3F9A]  }
0x30: {  	s3 =	sld [smem:$0x3F9D]  }
0x31: {  	[smem:$0x3FA6] =	sst s10  }
0x32: {  	s10 =	sld [smem:$0x3FA4];
	_ =	sdelay $0x3  }
0x33: {  	p0 =	seq.s32 s10, $0x1;
	s10 =	sld [smem:$0x3FA6];
	_ =	sdelay $0x3  }
0x34: {  	[smem:$0x3FA6] =	sst s10  }
0x35: {  	s10 =	sld [smem:$0x3FA5];
	_ =	sdelay $0x3  }
0x36: {  	p1 =	seq.s32 s10, $0x1;
	s10 =	sld [smem:$0x3FA6];
	_ =	sdelay $0x3  }
0x37: {  	[smem:$0x3FA6] =	sst s10  }
0x38: {  	s10 =	sld [smem:$0x3FA7]  }
0x39: {  	_ = 	snop;
	(pc) =	sbr.ind lr, $3  }
0x3a: {  	_ = 	snop  }
0x3b: {  	_ = 	snop  }
0x3c: {  	p2 =	seq.s32 s10, $0x1;
	s10 =	sld [smem:$0x3FA6]  }
0x3d: {  	_ =	shalt  }
0x3e: {  	_ =	shalt  }
0x3f: {  	_ =	shalt  }
0x40: {  	_ =	shalt  }
0x41: {  	_ =	shalt  }
0x42: {  	_ =	shalt  }
0x43: {  	_ =	shalt  }
0x44: {  	_ =	shalt  }
0x45: {  	_ =	shalt  }
0x46: {  	_ =	shalt  }
0x47: {  	_ =	shalt  }
0x48: {  	_ =	shalt  }
0x49: {  	_ =	shalt  }
0x4a: {  	_ =	shalt  }
0x4b: {  	_ =	shalt  }
0x4c: {  	_ =	shalt  }
0x4d: {  	_ =	shalt  }
0x4e: {  	_ =	shalt  }
0x4f: {  	_ =	shalt  }
0x50: {  	_ =	shalt  }
0x51: {  	_ =	shalt  }
0x52: {  	_ =	shalt  }
0x53: {  	_ =	shalt  }
0x54: {  	_ =	shalt  }
0x55: {  	_ =	shalt  }
0x56: {  	_ =	shalt  }
0x57: {  	_ =	shalt  }
0x58: {  	_ =	shalt  }
0x59: {  	_ =	shalt  }
0x5a: {  	_ =	shalt  }
0x5b: {  	_ =	shalt  }
0x5c: {  	_ =	shalt  }
0x5d: {  	_ =	shalt  }
0x5e: {  	_ =	shalt  }
0x5f: {  	_ =	shalt  }
0x60: {  	_ =	shalt  }
0x61: {  	_ =	shalt  }
0x62: {  	_ =	shalt  }
0x63: {  	_ =	shalt  }
0x64: {  	_ =	shalt  }
0x65: {  	_ =	shalt  }
0x66: {  	_ =	shalt  }
0x67: {  	_ =	shalt  }
0x68: {  	_ =	shalt  }
0x69: {  	_ =	shalt  }
0x6a: {  	_ =	shalt  }
0x6b: {  	_ =	shalt  }
0x6c: {  	_ =	shalt  }
0x6d: {  	_ =	shalt  }
0x6e: {  	_ =	shalt  }
0x6f: {  	_ =	shalt  }
0x70: {  	_ =	shalt  }
0x71: {  	_ =	shalt  }
0x72: {  	_ =	shalt  }
0x73: {  	_ =	shalt  }
0x74: {  	_ =	shalt  }
0x75: {  	_ =	shalt  }
0x76: {  	_ =	shalt  }
0x77: {  	_ =	shalt  }
0x78: {  	_ =	shalt  }
0x79: {  	_ =	shalt  }
0x7a: {  	_ =	shalt  }
0x7b: {  	_ =	shalt  }
0x7c: {  	_ =	shalt  }
0x7d: {  	_ =	shalt  }
0x7e: {  	_ =	shalt  }
0x7f: {  	_ =	shalt  }
0x80: {  	_ =	shalt  }
0x81: {  	_ =	shalt  }
0x82: {  	_ =	shalt  }
0x83: {  	_ =	shalt  }
0x84: {  	_ =	shalt  }
0x85: {  	_ =	shalt  }
0x86: {  	_ =	shalt  }
0x87: {  	_ =	shalt  }
.Lfunc_end0:
.L_simem_size_0:
called_computation_lowered:
.L_overlay_start_0:
0x88: {  	s2 =	sld [smem:$0x3FD9]  }
0x89: {  	s3 =	sld [smem:$0x3FFE];
	_ =	sdelay $0x1  }
0x8a: {  	s1 =	srdreg.scid  }
0x8b: {  	s0 =	sand.u32 $0x1, s1  }
0x8c: {  	s17 =	sshll.u32 s0, $0xA;
	s2 =	sadd.s32 s3, s2  }
0x8d: {  	s2 =	sadd.s32 s2, s17  }
0x8e: {  	[smem:$0x3FB2] =	sst s2  }
0x8f: {  	_ = 	snop  }
0x90: {  	s2 =	sld [smem:$0x3FC9];
	(tm) =	ssettm $0x1  }
0x91: {  	s18 =	sld [smem:$0x3FFB];
	_ =	sdelay $0x3  }
0x92: {  	_ =	strace s18  }
0x93: {  	s3 =	sld [smem:$0x3FFC];
	_ =	sdelay $0x3  }
0x94: {  	_ =	strace s3  }
0x95: {  	s3 =	sld [smem:$0x3FFD];
	_ =	sdelay $0x3  }
0x96: {  	_ =	strace s3  }
0x97: {  	_ =	strace $0x8FFFFFFF  }
0x98: {  	s19 =	sld [smem:$0x3FDB];
	_ =	sdelay $0x1  }
0x99: {  	s4 =	simm.s32 $_scs_section_size  }
0x9a: {  	s5 =	simm.s32 $_size__tile_overlayer_lowered;
	s6 =	simm.s32 $_tile_overlayer_lowered  }
0x9b: {  	s22 =	simm.s32 $0x1BFF;
	s21 =	sshll.u32 s6, $0x1;
	s3 =	sadd.s32 s4, s19  }
0x9c: {  	s7 =	simm.s32 $0x0;
	s20 =	sshll.u32 s5, $0x1;
	s5 =	sadd.s32 s21, s3  }
0x9d: {  	[timem:s7], [sflag:s22] =	dma.local [hbm:s5], s20  }
0x9e: {  	_ =	swait.ge [sflag:s22], s20  }
0x9f: {  	s4 =	ssub.s32 $0x0, s20;
	[sflag:s22] =	ssyncset.done $0x0  }
0xa0: {  	[sflag:s22] =	ssyncadd.s32 s4;
	_ =	sdelay $0x1  }
0xa1: {  	s23 =	simm.s32 $0x1B8B  }
0xa2: {  	_ =	swait.ge [sflag:s23], $0x1  }
0xa3: {  	[sflag:s23] =	ssyncset.done $0x0  }
0xa4: {  	s25 =	simm.s32 $0x1B8E;
	s24 =	sld [smem:$0x3FFE];
	[sflag:s23] =	ssyncadd.s32 $0xFFFFFFFF  }
0xa5: {  	s26 =	simm.s32 $execute0_lowered;
	[smem:$0x3FD2] =	sst s25  }
0xa6: {  	s5 =	sshll.u32 s26, $0x1;
	_ =	strace $0x80000046;
	[dreg:$0x1] =	wrdreg $0xFFFFFFFF  }
0xa7: {  	s28 =	simm.s32 $_size_execute0_lowered;
	s3 =	sadd.s32 s3, s5;
	[dreg:$0x0] =	wrdreg $0x0  }
0xa8: {  	s5 =	sshll.u32 s28, $0x1;
	[dreg:$0x2] =	wrdreg s3  }
0xa9: {  	[dreg:$0x3] =	wrdreg s5  }
0xaa: {  	[dreg:$0x4] =	wrdreg $0xC0  }
0xab: {  	_ =	task [dreg:s7], $0x5FFFF  }
0xac: {  	[dreg:$0x1] =	wrdreg $0xFFFFFFFF  }
0xad: {  	[dreg:$0x0] =	wrdreg $0x60  }
0xae: {  	[dreg:$0x2] =	wrdreg s24  }
0xaf: {  	[dreg:$0x3] =	wrdreg s2  }
0xb0: {  	[dreg:$0x4] =	wrdreg $0x9  }
0xb1: {  	_ =	task.clear_ibuf [dreg:s7], $0x5FFFF;
	_ =	strace $0x90000046  }
0xb2: {  	s29 =	simm.s32 $0x9;
	_ =	strace $0x80000048  }
0xb3: {  	_ =	swait.ge [sflag:s29], $0x1  }
0xb4: {  	[sflag:s29] =	ssyncadd.s32 $0xFFFFFFFF  }
0xb5: {  	_ =	strace $0x90000048  }
0xb6: {  	_ =	sfence  }
0xb7: {  	s30 =	sld [smem:$0x0];
	_ =	sdelay $0x2  }
0xb8: {  	s31 =	sshll.u32 s1, $0xD;
	s1 =	sshrl.u32 s1, $0x2  }
0xb9: {  	s3 =	sand.u32 $0x4000, s31;
	s1 =	sadd.s32 s1, s30  }
0xba: {  	s0 =	sor.u32 s3, s0;
	s1 =	sshll.u32 s1, $0x11  }
0xbb: {  	s0 =	sor.u32 s1, s0  }
0xbc: {  	s0 =	sadd.s32 $0x8F2B, s0  }
0xbd: {  	[sflag:s0] =	ssyncadd.remote.s32 $0x1  }
0xbe: {  	_ =	sfence.sel $0xFFFF  }
0xbf: {  	[dreg:$0x0] =	wrdreg $0xFFFFFFFF;
	(pc) =	sbr.abs _section_cstart, $3  }
0xc0: {  	[dreg:$0x1] =	wrdreg $0xFFFFFFFF  }
0xc1: {  	_ =	task.clear_ibuf [dreg:s7], $0x2FFFF;
	_ =	strace $0x9FFFFFFF  }
0xc2: {  	(tm) =	ssettm $0x7FFFFFFF  }
0xc3: {  	_ =	shalt  }
tec
execute0_lowered:
.L_overlay_start_1:
0x0: {  	(tag) =	ssettag $0x1  }
0x1: {  	s0 =	srdreg.scid;
	s7 =	rddreg [dreg:$0x0]  }
0x2: {  	s12 =	stileid.u32;
	s2 =	rddreg [dreg:$0x1];
	s4 =	simm.s32 $0x0  }
0x3: {  	s15 =	simm.s32 $0x4F00;
	s28 =	simm.s32 $0x1;
	s29 =	simm.s32 $0x9F00  }
0x4: {  	s31 =	simm.s32 $0xA700;
	s14 =	simm.s32 $0xDF00;
	s13 =	simm.s32 $0x3  }
0x5: {  	s16 =	simm.s32 $0x5;
	s17 =	simm.s32 $0x7;
	s18 =	simm.s32 $0x2  }
0x6: {  	s19 =	simm.s32 $0x4;
	s21 =	simm.s32 $0x0;
	s0 =	sand.u32 $0x1, s0  }
0x7: {  	s1 =	sshll.u32 s12, $0x1;
	[smem:$0x7FF] =	sst s4;
	s9 =	smul.u32 $0x9C400, s12  }
0x8: {  	s5 =	sadd.s32 $0x18600, s7;
	s6 =	sadd.s32 $0x66800, s7;
	s25 =	smul.u32 $0x4E200, s12  }
0x9: {  	s12 =	simm.s32 $0x11700;
	s1 =	sor.u32 s0, s1;
	s11 =	smul.u32 $0x4E200, s0  }
0xa: {  	_ =	strace $0x80000047;
	s8 =	ssub.s32 $0x2, s0;
	s3 =	smul.u32 $0x2710, s1  }
0xb: {  	s0 =	smul.u32 $0x27100, s0;
	s10 =	sshrl.u32 s8, $0x1;
	s26 =	sadd.s32 s9, s6  }
0xc: {  	s9 =	simm.s32 $0xCF00;
	s8 =	ssub.s32 s8, s10;
	s1 =	sshrl.u32 s3, $0x3  }
0xd: {  	s10 =	simm.s32 $0xD700;
	s8 =	smax.u32 s8, $0x1;
	s1 =	sadd.s32 s1, s7  }
0xe: {  	s7 =	sadd.s32 $0xA2A800, s7;
	[dreg:$0x5] =	wrdreg s8;
	s8 =	simm.s32 $0xC700  }
.Ltmp0:
0xf: {  	s24 =	sadd.s32 $0xE800, s1;
	s1 =	sadd.s32 $0x4A00, s1;
	(pc) =	sbr.rel .LBB2_1-.Ltmp0, $4  }
0x10: {  	s30 =	sadd.s32 s25, s7;
	s25 =	simm.s32 $0x50;
	[dreg:$0x3] =	wrdreg s24  }
0x11: {  	v2 =	vlaneseq.u32;
	[dreg:$0x4] =	wrdreg s1;
	s1 =	sadd.s32 s11, s26;
	s0 =	sadd.s32 s0, s30  }
0x12: {  	vm0 =	vmmov $0xffff;
	v1 =	vshrl.u32 v2, $0x3;
	s26 =	simm.s32 $0xEF00;
	s11 =	simm.s32 $0xE700;
	[dreg:$0x6] =	wrdreg s1  }
0x13: {  	v0 =	vand.u32 $0x7, v2;
	v2 =	vor.u32 $0x8, v2;
	v1 =	vmul.u32 $0x8, v1;
	[dreg:$0x7] =	wrdreg s0;
	s1 =	simm.s32 $0xB700;
	s0 =	simm.s32 $0xBF00  }
.LBB2_10:
0x14: {  	_ =	swait.ge [sflag:s16], $0x5000  }
0x15: {  	[sflag:s16] =	ssyncset.done $0x0  }
0x16: {  	[sflag:s16] =	ssyncadd.s32 $0xFFFFB000  }
0x17: {  	_ =	swait.ge [sflag:s17], $0x2800  }
0x18: {  	s21 =	rddreg [dreg:$0x8]  }
0x19: {  	s20 =	rddreg [dreg:$0x5];
	s21 =	sadd.s32 $0x1, s21  }
0x1a: {  	p0 =	sne.s32 s21, s20  }
.Ltmp1:
0x1b: {  	_ = 	snop;
	(pc) =	sbr.rel @!p0 .LBB2_11-.Ltmp1, $3  }
0x1c: {  	_ =	sdelay $0x1  }
0x1d: {  	[sflag:s17] =	ssyncset.done $0x0  }
0x1e: {  	[sflag:s17] =	ssyncadd.s32 $0xFFFFD800  }
.LBB2_1:
0x1f: {  	[dreg:$0x8] =	wrdreg s21  }
0x20: {  	s20 =	rddreg [dreg:$0x3];
	s23 =	simm.s32 $0x9  }
0x21: {  	[tilespmem:s4], [sflag:$0x9] =	stream.linear.gather [hbm4b:s20+s4], $0x2710, $0x38;
	[tilespmem:$0x13F00] =	vst v63  }
0x22: {  	_ =	swait.ge [sflag:s23], $0x2710  }
0x23: {  	[sflag:s23] =	ssyncset.done $0x0  }
0x24: {  	s22 =	simm.s32 $0x2780;
	s24 =	rddreg [dreg:$0x4];
	[sflag:s23] =	ssyncadd.s32 $0xFFFFD8F0  }
0x25: {  	[tilespmem:s22], [sflag:$0x9] =	stream.linear.gather [hbm4b:s24+s4], $0x2710, $0x38;
	[tilespmem:$0x13F00] =	vst v63  }
0x26: {  	_ =	swait.ge [sflag:s23], $0x2710  }
0x27: {  	[sflag:s23] =	ssyncset.done $0x0  }
0x28: {  	[sflag:s23] =	ssyncadd.s32 $0xFFFFD8F0  }
0x29: {  	v3 =	vld [tilespmem:$0x0];
	_ =	sdelay $0x4  }
0x2a: {  	v4 =	vshll.u32 v3, $0x1  }
0x2b: {  	v3 =	vand.u32 $0x7, v3;
	v4 =	vand.u32 $0xFFFFFFF0, v4  }
0x2c: {  	v3 =	vor.u32 v3, v4  }
0x2d: {  	v4 =	vperm.xlane v3, v0;
	_ =	sdelay $0x1  }
0x2e: {  	v3 =	vperm.xlane v3, v2;
	v4 =	vadd.s32 v1, v4;
	_ =	sdelay $0x1  }
0x2f: {  	v3 =	vadd.s32 v1, v3;
	_ =	sdelay $0x2  }
0x30: {  	[tilespmem:s15], [sflag:$0x1] =	stream.indirect_vreg.gather [hbm4b:s5+s4], $0x80, v4, vm0, $0xb8;
	[tilespmem:$0x13F00] =	vst v63  }
0x31: {  	s30 =	simm.s32 $0x5700  }
0x32: {  	[tilespmem:s30], [sflag:$0x1] =	stream.indirect_vreg.gather [hbm4b:s5+s4], $0x80, v3, vm0, $0xb8;
	[tilespmem:$0x13F00] =	vst v63  }
0x33: {  	v3 =	vld [tilespmem:$0x10];
	_ =	sdelay $0x4  }
0x34: {  	v60 =	vshll.u32 v3, $0x1  }
0x35: {  	v3 =	vand.u32 $0x7, v3;
	v4 =	vand.u32 $0xFFFFFFF0, v60  }
0x36: {  	v3 =	vor.u32 v3, v4  }
0x37: {  	v4 =	vperm.xlane v3, v0;
	_ =	sdelay $0x1  }
0x38: {  	v3 =	vperm.xlane v3, v2;
	v4 =	vadd.s32 v1, v4;
	_ =	sdelay $0x1  }
0x39: {  	v3 =	vadd.s32 v1, v3;
	_ =	sdelay $0x1  }
0x3a: {  	s21 =	simm.s32 $0x5F00  }
0x3b: {  	[tilespmem:s21], [sflag:$0x1] =	stream.indirect_vreg.gather [hbm4b:s5+s4], $0x80, v4, vm0, $0xb8;
	[tilespmem:$0x13F00] =	vst v63  }
0x3c: {  	s23 =	simm.s32 $0x6700  }
0x3d: {  	[tilespmem:s23], [sflag:$0x1] =	stream.indirect_vreg.gather [hbm4b:s5+s4], $0x80, v3, vm0, $0xb8;
	[tilespmem:$0x13F00] =	vst v63  }
0x3e: {  	v3 =	vld [tilespmem:$0x20];
	_ =	sdelay $0x4  }
0x3f: {  	v61 =	vshll.u32 v3, $0x1  }
0x40: {  	v3 =	vand.u32 $0x7, v3;
	v4 =	vand.u32 $0xFFFFFFF0, v61  }
0x41: {  	v3 =	vor.u32 v3, v4  }
0x42: {  	v4 =	vperm.xlane v3, v0;
	_ =	sdelay $0x1  }
0x43: {  	v3 =	vperm.xlane v3, v2;
	v4 =	vadd.s32 v1, v4;
	_ =	sdelay $0x1  }
0x44: {  	v3 =	vadd.s32 v1, v3;
	_ =	sdelay $0x1  }
0x45: {  	s24 =	simm.s32 $0x6F00  }
0x46: {  	[tilespmem:s24], [sflag:$0x1] =	stream.indirect_vreg.gather [hbm4b:s5+s4], $0x80, v4, vm0, $0xb8;
	[tilespmem:$0x13F00] =	vst v63  }
0x47: {  	s30 =	simm.s32 $0x7700  }
0x48: {  	[tilespmem:s30], [sflag:$0x1] =	stream.indirect_vreg.gather [hbm4b:s5+s4], $0x80, v3, vm0, $0xb8;
	[tilespmem:$0x13F00] =	vst v63  }
0x49: {  	v3 =	vld [tilespmem:$0x30];
	_ =	sdelay $0x4  }
0x4a: {  	v62 =	vshll.u32 v3, $0x1  }
0x4b: {  	v3 =	vand.u32 $0x7, v3;
	v4 =	vand.u32 $0xFFFFFFF0, v62  }
0x4c: {  	v3 =	vor.u32 v3, v4  }
0x4d: {  	v4 =	vperm.xlane v3, v0;
	_ =	sdelay $0x1  }
0x4e: {  	v3 =	vperm.xlane v3, v2;
	v4 =	vadd.s32 v1, v4;
	_ =	sdelay $0x1  }
0x4f: {  	v3 =	vadd.s32 v1, v3;
	_ =	sdelay $0x1  }
0x50: {  	s21 =	simm.s32 $0x7F00  }
0x51: {  	[tilespmem:s21], [sflag:$0x1] =	stream.indirect_vreg.gather [hbm4b:s5+s4], $0x80, v4, vm0, $0xb8;
	[tilespmem:$0x13F00] =	vst v63  }
0x52: {  	s23 =	simm.s32 $0x8700  }
0x53: {  	[tilespmem:s23], [sflag:$0x1] =	stream.indirect_vreg.gather [hbm4b:s5+s4], $0x80, v3, vm0, $0xb8;
	[tilespmem:$0x13F00] =	vst v63  }
0x54: {  	v3 =	vld [tilespmem:$0x40];
	_ =	sdelay $0x4  }
0x55: {  	v63 =	vshll.u32 v3, $0x1  }
0x56: {  	v3 =	vand.u32 $0x7, v3;
	v4 =	vand.u32 $0xFFFFFFF0, v63  }
0x57: {  	v3 =	vor.u32 v3, v4  }
0x58: {  	v4 =	vperm.xlane v3, v0;
	_ =	sdelay $0x1  }
0x59: {  	v3 =	vperm.xlane v3, v2;
	v4 =	vadd.s32 v1, v4;
	_ =	sdelay $0x1  }
0x5a: {  	v3 =	vadd.s32 v1, v3;
	_ =	sdelay $0x1  }
0x5b: {  	s24 =	simm.s32 $0x8F00  }
0x5c: {  	[tilespmem:s24], [sflag:$0x1] =	stream.indirect_vreg.gather [hbm4b:s5+s4], $0x80, v4, vm0, $0xb8;
	[tilespmem:$0x13F00] =	vst v63  }
.Ltmp2:
0x5d: {  	s30 =	simm.s32 $0x9700;
	(pc) =	sbr.rel .LBB2_2-.Ltmp2, $4  }
0x5e: {  	[tilespmem:s30], [sflag:$0x1] =	stream.indirect_vreg.gather [hbm4b:s5+s4], $0x80, v3, vm0, $0xb8;
	[tilespmem:$0x13F00] =	vst v63  }
0x5f: {  	s21 =	rddreg [dreg:$0x7]  }
0x60: {  	[tilespmem:s26], [sflag:$0x3] =	stream.indirect.gather [hbm4b:s2+s25], $0x80, s22, s25, $0xb8;
	[tilespmem:$0x13F00] =	vst v63  }
0x61: {  	s23 =	simm.s32 $0x0;
	s24 =	simm.s32 $0x1;
	s22 =	rddreg [dreg:$0x6]  }
.LBB2_8:
0x62: {  	_ =	swait.ge [sflag:s18], $0x5000  }
0x63: {  	[sflag:s18] =	ssyncset.done $0x0  }
0x64: {  	[sflag:s18] =	ssyncadd.s32 $0xFFFFB000  }
0x65: {  	s20 =	sadd.s32 s3, s20;
	_ =	swait.ge [sflag:s19], $0x2800  }
0x66: {  	s30 =	sshll.u32 s20, $0x5;
	[sflag:s19] =	ssyncset.done $0x0  }
0x67: {  	s20 =	sshll.u32 s20, $0x4;
	s30 =	sadd.s32 s6, s30;
	[sflag:s19] =	ssyncadd.s32 $0xFFFFD800  }
0x68: {  	[hbm4b:s30+s4] =	stream.linear.scatter [tilespmem:s29], [sflag:$0x6], $0x5000, $0x38;
	[tilespmem:$0x13F00] =	vst v63  }
0x69: {  	s20 =	sadd.s32 s7, s20  }
0x6a: {  	[hbm4b:s20+s4] =	stream.linear.scatter [tilespmem:s12], [sflag:$0x8], $0x2800, $0x38;
	[tilespmem:$0x13F00] =	vst v63  }
.LBB2_9:
0x6b: {  	s23 =	sadd.s32 $0x280, s23  }
0x6c: {  	p0 =	sne.s32 s23, $0x9D80  }
.Ltmp3:
0x6d: {  	_ = 	snop;
	(pc) =	sbr.rel @!p0 .LBB2_10-.Ltmp3, $2  }
0x6e: {  	_ =	sdelay $0x2  }
0x6f: {  	s24 =	sadd.s32 $0x2, s24;
	s22 =	sadd.s32 $0x1400, s22;
	s21 =	sadd.s32 $0xA00, s21  }
.LBB2_2:
0x70: {  	p0 =	seq.s32 s23, $0x0  }
0x71: {  	s20 =	simm.s32 @!p0 $0x6;
	p1 =	sgt.u32 @!p0 s24, $0x7C  }
0x72: {  	_ =	swait.ge @!p0 [sflag:s20], $0x5000;
	p1 =	por p0, !p1  }
.Ltmp4:
0x73: {  	[sflag:s20] =	ssyncset.done @!p0 $0x0;
	(pc) =	sbr.rel @!p1 .LBB2_3-.Ltmp4, $4  }
0x74: {  	[sflag:s20] =	ssyncadd.s32 @!p0 $0xFFFFB000;
	s20 =	simm.s32 @!p0 $0x8  }
0x75: {  	_ =	swait.ge @!p0 [sflag:s20], $0x2800  }
0x76: {  	[sflag:s20] =	ssyncset.done @!p0 $0x0  }
0x77: {  	[sflag:s20] =	ssyncadd.s32 @!p0 $0xFFFFD800  }
0x78: {  	s20 =	smov.u32 s24  }
0x79: {  	s20 =	simm.s32 @p0 $0x1  }
0x7a: {  	s20 =	smul.u32 $0x50, s20;
	_ =	sdelay $0x1  }
0x7b: {  	v3 =	vld [tilespmem:s20+$0x0];
	_ =	sdelay $0x4  }
0x7c: {  	v4 =	vshll.u32 v3, $0x1  }
0x7d: {  	v3 =	vand.u32 $0x7, v3;
	v4 =	vand.u32 $0xFFFFFFF0, v4  }
0x7e: {  	v3 =	vor.u32 v3, v4  }
0x7f: {  	v4 =	vperm.xlane v3, v0;
	_ =	sdelay $0x1  }
0x80: {  	v3 =	vperm.xlane v3, v2;
	v4 =	vadd.s32 v1, v4;
	_ =	sdelay $0x1  }
0x81: {  	v3 =	vadd.s32 v1, v3;
	_ =	sdelay $0x2  }
0x82: {  	[tilespmem:s29], [sflag:$0x2] =	stream.indirect_vreg.gather [hbm4b:s5+s4], $0x80, v4, vm0, $0xb8;
	[tilespmem:$0x13F00] =	vst v63  }
0x83: {  	_ = 	snop  }
0x84: {  	[tilespmem:s31], [sflag:$0x2] =	stream.indirect_vreg.gather [hbm4b:s5+s4], $0x80, v3, vm0, $0xb8;
	[tilespmem:$0x13F00] =	vst v63  }
0x85: {  	v3 =	vld [tilespmem:s20+$0x10];
	_ =	sdelay $0x4  }
0x86: {  	v60 =	vshll.u32 v3, $0x1  }
0x87: {  	v3 =	vand.u32 $0x7, v3;
	v4 =	vand.u32 $0xFFFFFFF0, v60  }
0x88: {  	v3 =	vor.u32 v3, v4  }
0x89: {  	v4 =	vperm.xlane v3, v0;
	_ =	sdelay $0x1  }
0x8a: {  	v3 =	vperm.xlane v3, v2;
	v4 =	vadd.s32 v1, v4;
	_ =	sdelay $0x1  }
0x8b: {  	v3 =	vadd.s32 v1, v3;
	_ =	sdelay $0x1  }
0x8c: {  	s30 =	simm.s32 $0xAF00  }
0x8d: {  	[tilespmem:s30], [sflag:$0x2] =	stream.indirect_vreg.gather [hbm4b:s5+s4], $0x80, v4, vm0, $0xb8;
	[tilespmem:$0x13F00] =	vst v63  }
0x8e: {  	_ = 	snop  }
0x8f: {  	[tilespmem:s1], [sflag:$0x2] =	stream.indirect_vreg.gather [hbm4b:s5+s4], $0x80, v3, vm0, $0xb8;
	[tilespmem:$0x13F00] =	vst v63  }
0x90: {  	v3 =	vld [tilespmem:s20+$0x20];
	_ =	sdelay $0x4  }
0x91: {  	v61 =	vshll.u32 v3, $0x1  }
0x92: {  	v3 =	vand.u32 $0x7, v3;
	v4 =	vand.u32 $0xFFFFFFF0, v61  }
0x93: {  	v3 =	vor.u32 v3, v4  }
0x94: {  	v4 =	vperm.xlane v3, v0;
	_ =	sdelay $0x1  }
0x95: {  	v3 =	vperm.xlane v3, v2;
	v4 =	vadd.s32 v1, v4;
	_ =	sdelay $0x1  }
0x96: {  	v3 =	vadd.s32 v1, v3;
	_ =	sdelay $0x2  }
0x97: {  	[tilespmem:s0], [sflag:$0x2] =	stream.indirect_vreg.gather [hbm4b:s5+s4], $0x80, v4, vm0, $0xb8;
	[tilespmem:$0x13F00] =	vst v63  }
0x98: {  	_ = 	snop  }
0x99: {  	[tilespmem:s8], [sflag:$0x2] =	stream.indirect_vreg.gather [hbm4b:s5+s4], $0x80, v3, vm0, $0xb8;
	[tilespmem:$0x13F00] =	vst v63  }
0x9a: {  	v3 =	vld [tilespmem:s20+$0x30];
	_ =	sdelay $0x4  }
0x9b: {  	v62 =	vshll.u32 v3, $0x1  }
0x9c: {  	v3 =	vand.u32 $0x7, v3;
	v4 =	vand.u32 $0xFFFFFFF0, v62  }
0x9d: {  	v3 =	vor.u32 v3, v4  }
0x9e: {  	v4 =	vperm.xlane v3, v0;
	_ =	sdelay $0x1  }
0x9f: {  	v3 =	vperm.xlane v3, v2;
	v4 =	vadd.s32 v1, v4;
	_ =	sdelay $0x1  }
0xa0: {  	v3 =	vadd.s32 v1, v3;
	_ =	sdelay $0x2  }
0xa1: {  	[tilespmem:s9], [sflag:$0x2] =	stream.indirect_vreg.gather [hbm4b:s5+s4], $0x80, v4, vm0, $0xb8;
	[tilespmem:$0x13F00] =	vst v63  }
0xa2: {  	_ = 	snop  }
0xa3: {  	[tilespmem:s10], [sflag:$0x2] =	stream.indirect_vreg.gather [hbm4b:s5+s4], $0x80, v3, vm0, $0xb8;
	[tilespmem:$0x13F00] =	vst v63  }
0xa4: {  	v3 =	vld [tilespmem:s20+$0x40];
	_ =	sdelay $0x4  }
0xa5: {  	v63 =	vshll.u32 v3, $0x1  }
0xa6: {  	v3 =	vand.u32 $0x7, v3;
	v4 =	vand.u32 $0xFFFFFFF0, v63  }
0xa7: {  	v3 =	vor.u32 v3, v4  }
0xa8: {  	v4 =	vperm.xlane v3, v0;
	_ =	sdelay $0x1  }
0xa9: {  	v4 =	vadd.s32 v1, v4  }
0xaa: {  	v3 =	vperm.xlane v3, v2;
	_ =	sdelay $0x1  }
0xab: {  	v3 =	vadd.s32 v1, v3;
	_ =	sdelay $0x1  }
0xac: {  	[tilespmem:s14], [sflag:$0x2] =	stream.indirect_vreg.gather [hbm4b:s5+s4], $0x80, v4, vm0, $0xb8;
	[tilespmem:$0x13F00] =	vst v63  }
.Ltmp5:
0xad: {  	_ = 	snop;
	(pc) =	sbr.rel .LBB2_5-.Ltmp5, $4  }
0xae: {  	_ = 	snop  }
0xaf: {  	[tilespmem:s11], [sflag:$0x2] =	stream.indirect_vreg.gather [hbm4b:s5+s4], $0x80, v3, vm0, $0xb8;
	[tilespmem:$0x13F00] =	vst v63  }
0xb0: {  	p0 =	por $0x1, $0x1;
	s30 =	sadd.s32 $0x2780, s20  }
0xb1: {  	[tilespmem:s12], [sflag:$0x4] =	stream.indirect.gather [hbm4b:s2+s25], $0x80, s30, s25, $0xb8;
	[tilespmem:$0x13F00] =	vst v63  }
.LBB2_3:
0xb2: {  	s20 =	simm.s32 @!p0 $0x2710;
	p0 =	por @!p0 $0x0, $0x0  }
.LBB2_5:
0xb3: {  	_ =	swait.ge [sflag:s28], $0x5000  }
0xb4: {  	[sflag:s28] =	ssyncset.done $0x0  }
0xb5: {  	[sflag:s28] =	ssyncadd.s32 $0xFFFFB000  }
0xb6: {  	_ =	swait.ge [sflag:s13], $0x2800  }
.Ltmp6:
0xb7: {  	[sflag:s13] =	ssyncset.done $0x0;
	(pc) =	sbr.rel @!p0 .LBB2_9-.Ltmp6, $4  }
0xb8: {  	[sflag:s13] =	ssyncadd.s32 $0xFFFFD800  }
0xb9: {  	[hbm4b:s22+s4] =	stream.linear.scatter [tilespmem:s15], [sflag:$0x5], $0x5000, $0x38;
	[tilespmem:$0x13F00] =	vst v63  }
0xba: {  	_ = 	snop  }
0xbb: {  	[hbm4b:s21+s4] =	stream.linear.scatter [tilespmem:s26], [sflag:$0x7], $0x2800, $0x38;
	[tilespmem:$0x13F00] =	vst v63  }
0xbc: {  	_ =	swait.ge [sflag:s16], $0x5000;
	p0 =	seq.s32 s23, $0x9B00  }
.Ltmp7:
0xbd: {  	[sflag:s16] =	ssyncset.done $0x0;
	(pc) =	sbr.rel @p0 .LBB2_8-.Ltmp7, $4  }
0xbe: {  	[sflag:s16] =	ssyncadd.s32 $0xFFFFB000  }
0xbf: {  	_ =	swait.ge [sflag:s17], $0x2800  }
0xc0: {  	[sflag:s17] =	ssyncset.done $0x0  }
0xc1: {  	[sflag:s17] =	ssyncadd.s32 $0xFFFFD800  }
0xc2: {  	s30 =	sshra.s32 s23, $0x2  }
0xc3: {  	v3 =	vld [tilespmem:s30+$0xA0];
	_ =	sdelay $0x4  }
0xc4: {  	v4 =	vshll.u32 v3, $0x1  }
0xc5: {  	v3 =	vand.u32 $0x7, v3;
	v4 =	vand.u32 $0xFFFFFFF0, v4  }
0xc6: {  	v3 =	vor.u32 v3, v4  }
0xc7: {  	v4 =	vperm.xlane v3, v0;
	_ =	sdelay $0x1  }
0xc8: {  	v3 =	vperm.xlane v3, v2;
	v4 =	vadd.s32 v1, v4;
	_ =	sdelay $0x1  }
0xc9: {  	v3 =	vadd.s32 v1, v3;
	_ =	sdelay $0x2  }
0xca: {  	[tilespmem:s15], [sflag:$0x1] =	stream.indirect_vreg.gather [hbm4b:s5+s4], $0x80, v4, vm0, $0xb8;
	[tilespmem:$0x13F00] =	vst v63  }
0xcb: {  	s31 =	simm.s32 $0x5700  }
0xcc: {  	[tilespmem:s31], [sflag:$0x1] =	stream.indirect_vreg.gather [hbm4b:s5+s4], $0x80, v3, vm0, $0xb8;
	[tilespmem:$0x13F00] =	vst v63  }
0xcd: {  	v3 =	vld [tilespmem:s30+$0xB0];
	_ =	sdelay $0x4  }
0xce: {  	v60 =	vshll.u32 v3, $0x1  }
0xcf: {  	v3 =	vand.u32 $0x7, v3;
	v4 =	vand.u32 $0xFFFFFFF0, v60  }
0xd0: {  	v3 =	vor.u32 v3, v4  }
0xd1: {  	v4 =	vperm.xlane v3, v0;
	_ =	sdelay $0x1  }
0xd2: {  	v3 =	vperm.xlane v3, v2;
	v4 =	vadd.s32 v1, v4;
	_ =	sdelay $0x1  }
0xd3: {  	v3 =	vadd.s32 v1, v3;
	_ =	sdelay $0x1  }
0xd4: {  	s31 =	simm.s32 $0x5F00  }
0xd5: {  	[tilespmem:s31], [sflag:$0x1] =	stream.indirect_vreg.gather [hbm4b:s5+s4], $0x80, v4, vm0, $0xb8;
	[tilespmem:$0x13F00] =	vst v63  }
0xd6: {  	s31 =	simm.s32 $0x6700  }
0xd7: {  	[tilespmem:s31], [sflag:$0x1] =	stream.indirect_vreg.gather [hbm4b:s5+s4], $0x80, v3, vm0, $0xb8;
	[tilespmem:$0x13F00] =	vst v63  }
0xd8: {  	v3 =	vld [tilespmem:s30+$0xC0];
	_ =	sdelay $0x4  }
0xd9: {  	v61 =	vshll.u32 v3, $0x1  }
0xda: {  	v3 =	vand.u32 $0x7, v3;
	v4 =	vand.u32 $0xFFFFFFF0, v61  }
0xdb: {  	v3 =	vor.u32 v3, v4  }
0xdc: {  	v4 =	vperm.xlane v3, v0;
	_ =	sdelay $0x1  }
0xdd: {  	v3 =	vperm.xlane v3, v2;
	v4 =	vadd.s32 v1, v4;
	_ =	sdelay $0x1  }
0xde: {  	v3 =	vadd.s32 v1, v3;
	_ =	sdelay $0x1  }
0xdf: {  	s31 =	simm.s32 $0x6F00  }
0xe0: {  	[tilespmem:s31], [sflag:$0x1] =	stream.indirect_vreg.gather [hbm4b:s5+s4], $0x80, v4, vm0, $0xb8;
	[tilespmem:$0x13F00] =	vst v63  }
0xe1: {  	s31 =	simm.s32 $0x7700  }
0xe2: {  	[tilespmem:s31], [sflag:$0x1] =	stream.indirect_vreg.gather [hbm4b:s5+s4], $0x80, v3, vm0, $0xb8;
	[tilespmem:$0x13F00] =	vst v63  }
0xe3: {  	v3 =	vld [tilespmem:s30+$0xD0];
	_ =	sdelay $0x4  }
0xe4: {  	v62 =	vshll.u32 v3, $0x1  }
0xe5: {  	v3 =	vand.u32 $0x7, v3;
	v4 =	vand.u32 $0xFFFFFFF0, v62  }
0xe6: {  	v3 =	vor.u32 v3, v4  }
0xe7: {  	v4 =	vperm.xlane v3, v0;
	_ =	sdelay $0x1  }
0xe8: {  	v3 =	vperm.xlane v3, v2;
	v4 =	vadd.s32 v1, v4;
	_ =	sdelay $0x1  }
0xe9: {  	v3 =	vadd.s32 v1, v3;
	_ =	sdelay $0x1  }
0xea: {  	s31 =	simm.s32 $0x7F00  }
0xeb: {  	[tilespmem:s31], [sflag:$0x1] =	stream.indirect_vreg.gather [hbm4b:s5+s4], $0x80, v4, vm0, $0xb8;
	[tilespmem:$0x13F00] =	vst v63  }
0xec: {  	s31 =	simm.s32 $0x8700  }
0xed: {  	[tilespmem:s31], [sflag:$0x1] =	stream.indirect_vreg.gather [hbm4b:s5+s4], $0x80, v3, vm0, $0xb8;
	[tilespmem:$0x13F00] =	vst v63  }
0xee: {  	v3 =	vld [tilespmem:s30+$0xE0];
	_ =	sdelay $0x4  }
0xef: {  	v63 =	vshll.u32 v3, $0x1  }
0xf0: {  	v3 =	vand.u32 $0x7, v3;
	v4 =	vand.u32 $0xFFFFFFF0, v63  }
0xf1: {  	v3 =	vor.u32 v3, v4  }
0xf2: {  	v4 =	vperm.xlane v3, v0;
	_ =	sdelay $0x1  }
0xf3: {  	v4 =	vadd.s32 v1, v4  }
0xf4: {  	v3 =	vperm.xlane v3, v2;
	_ =	sdelay $0x1  }
0xf5: {  	v3 =	vadd.s32 v1, v3  }
0xf6: {  	s31 =	simm.s32 $0x8F00  }
0xf7: {  	[tilespmem:s31], [sflag:$0x1] =	stream.indirect_vreg.gather [hbm4b:s5+s4], $0x80, v4, vm0, $0xb8;
	[tilespmem:$0x13F00] =	vst v63  }
.Ltmp8:
0xf8: {  	_ = 	snop;
	(pc) =	sbr.rel .LBB2_8-.Ltmp8, $4  }
0xf9: {  	s31 =	simm.s32 $0x9700  }
0xfa: {  	[tilespmem:s31], [sflag:$0x1] =	stream.indirect_vreg.gather [hbm4b:s5+s4], $0x80, v3, vm0, $0xb8;
	[tilespmem:$0x13F00] =	vst v63  }
0xfb: {  	s30 =	sadd.s32 $0x2820, s30;
	s31 =	simm.s32 $0xA700  }
0xfc: {  	[tilespmem:s26], [sflag:$0x3] =	stream.indirect.gather [hbm4b:s2+s25], $0x80, s30, s25, $0xb8;
	[tilespmem:$0x13F00] =	vst v63  }
.LBB2_11:
0xfd: {  	_ =	sfence.sel $0x180000  }
0xfe: {  	[bflag:$0x0] =	sbarrier.arrive $0xFFFF  }
0xff: {  	_ =	strace $0x90000047  }
0x100: {  	s0 =	stileid.u32;
	[bflag:$0x2] =	sbarrier.arrive $0xFFFF  }
0x101: {  	p0 =	sne.s32 s0, $0x0;
	s0 =	rddreg [dreg:$0x2]  }
0x102: {  	s0 =	sadd.s32 @!p0 $0x100000, s0  }
0x103: {  	[sflag:s0] =	ssyncadd.tile.s32 @!p0 $0x1;
	_ =	shalt  }
.Lfunc_end2:
_tile_overlayer_lowered:
.L_overlay_start_2:
0x104: {  	(tag) =	ssettag $0x2  }
0x105: {  	s0 =	rddreg [dreg:$0x0];
	s2 =	stileid.u32  }
0x106: {  	s1 =	rddreg [dreg:$0x1];
	p0 =	sne.s32 s2, $0x0  }
0x107: {  	s3 =	rddreg [dreg:$0x2];
	[bflag:$0x3] =	sbarrier.arrive $0xFFFF;
	s2 =	simm.s32 @!p0 $0x1C09  }
0x108: {  	[timem:s3], [sflag:s2] =	dma.local @!p0 [hbm:s0], s1  }
0x109: {  	s0 =	simm.s32 @!p0 $0x9  }
0x10a: {  	_ =	swait.ge @!p0 [sflag:s0], s1  }
0x10b: {  	s1 =	ssub.s32 @!p0 $0x0, s1;
	[sflag:s0] =	ssyncset.done @!p0 $0x0  }
0x10c: {  	[sflag:s0] =	ssyncadd.s32 @!p0 s1  }
0x10d: {  	[bflag:$0x3] =	sbarrier.arrive $0xFFFF  }
0x10e: {  	_ =	shalt  }

</sc_bundles>
